<compile_context>
chip_gen: v7x
topology: tpu7x:2x2x1
jax: 0.10.2.dev20260603
libtpu: 0.0.44.dev20260713+nightly
codegen_flags: <defaults>
</compile_context>

<pallas_src>
import jax
import jax.numpy as jnp
from jax import lax
from jax.experimental import pallas as pl
from jax.experimental.pallas import tpu as pltpu
from jax.experimental.pallas import tpu_sc as plsc

_B = 4
_S = 8190
_SP = 8192
_NW = 16
_CW = _SP // _NW
_HALO = 128
_LD = _CW + _HALO
_VPR = _CW // 16
_DOFF = 128


def _router_body(x_hbm, pos_hbm, beh_hbm, buf, pos_buf, beh_buf, sem1, sem2):
    wid = lax.axis_index("s")
    cs = pl.multiple_of(wid * _CW, _HALO)
    base = pl.multiple_of(jnp.maximum(cs - _HALO, 0), _HALO)
    off = cs - base

    pltpu.sync_copy(x_hbm.at[:, pl.ds(base, _LD)],
                    buf.at[:, pl.ds(_DOFF, _B * _LD)].reshape(_B, _LD))

    lane = lax.iota(jnp.int32, 16)
    d = (lane + 3) & 3
    is1 = d == 1
    is2 = d == 2
    d0 = d == 0
    dp1 = d + 1
    zero = jnp.zeros((16,), jnp.int32)
    one_u = jnp.ones((16,), jnp.uint32)

    def do_vec(li0, ko):
        x = buf[0, pl.ds(li0, 16)]
        x1 = buf[0, pl.ds(li0 - 1, 16)]
        x2 = buf[0, pl.ds(li0 - 2, 16)]
        x3 = buf[0, pl.ds(li0 - 3, 16)]
        v = jnp.where(is1, x1, jnp.where(is2, x2, x3))
        pos_kill = plsc.bitcast(x, jnp.uint32) <= one_u
        pos = jnp.where(pos_kill, zero, dp1)
        beh_kill = d0 | (v == 1)
        beh = jnp.where(beh_kill, zero, v)
        pos_buf[0, pl.ds(ko, 16)] = pos
        beh_buf[0, pl.ds(ko, 16)] = beh

    for b in range(_B):
        li_row = _DOFF + b * _LD + off
        ko_row = b * _CW

        @plsc.parallel_loop(0, _VPR, unroll=4)
        def _(i, _li=li_row, _ko=ko_row):
            k = i * 16
            do_vec(_li + k, _ko + k)

    @pl.when(wid == 0)
    def _():
        l0 = lane == 0
        for b in range(_B):
            o = b * _CW
            pos_buf[0, pl.ds(o, 16)] = jnp.where(
                l0, zero, pos_buf[0, pl.ds(o, 16)])
            beh_buf[0, pl.ds(o, 16)] = jnp.where(
                l0, zero, beh_buf[0, pl.ds(o, 16)])

    @pl.when(wid == _NW - 1)
    def _():
        le = lane == 13
        for b in range(_B):
            o = b * _CW + _CW - 16
            pos_buf[0, pl.ds(o, 16)] = jnp.where(
                le, zero, pos_buf[0, pl.ds(o, 16)])

    cp1 = pltpu.make_async_copy(
        pos_buf.reshape(_B, _CW), pos_hbm.at[:, pl.ds(cs, _CW)], sem1)
    cp2 = pltpu.make_async_copy(
        beh_buf.reshape(_B, _CW), beh_hbm.at[:, pl.ds(cs, _CW)], sem2)
    cp1.start()
    cp2.start()
    cp1.wait()
    cp2.wait()


@jax.jit
def kernel(input_id_sequence):
    mesh = plsc.VectorSubcoreMesh(
        core_axis_name="c", subcore_axis_name="s", num_cores=1)
    run = pl.kernel(
        _router_body,
        mesh=mesh,
        out_type=(
            jax.ShapeDtypeStruct((_B, _S), jnp.int32),
            jax.ShapeDtypeStruct((_B, _S), jnp.int32),
        ),
        scratch_types=[
            pltpu.VMEM((1, _DOFF + _B * _LD), jnp.int32),
            pltpu.VMEM((1, _B * _CW), jnp.int32),
            pltpu.VMEM((1, _B * _CW), jnp.int32),
            pltpu.SemaphoreType.DMA,
            pltpu.SemaphoreType.DMA,
        ],
        compiler_params=pltpu.CompilerParams(skip_device_barrier=True),
    )
    return run(input_id_sequence)

# --- scband reference (transcript-rebuilt; emitter-appended) ---
"""Pipeline reference for scband-pbaencoder-router-39608188404281 (READ-ONLY COPY).

The authoritative reference and input builder live on the scoring server;
editing this copy changes nothing except your own understanding.
"""

import jax, jax.numpy as jnp
import numpy as np

NUM_ITEMS = 2047
NUM_POSITIONS = 4
EOS = 1
PAD = 0
BATCH = 4
SEQ = 1 + NUM_ITEMS * NUM_POSITIONS + 1  # 8190
VOCAB = 100000


def setup_inputs(seed: int = 0) -> dict:
    key = jax.random.key(seed)
    input_id_sequence = jax.random.randint(key, (BATCH, SEQ), 0, VOCAB, dtype=jnp.int32)
    return {"input_id_sequence": input_id_sequence}


def reference(input_id_sequence):
    idt = input_id_sequence.dtype
    # pre-generated position index: [0, (1..num_positions) repeated num_items times, 0]
    pre_generated_position_index = jnp.concatenate([
        jnp.zeros((1,), dtype=idt),
        jnp.tile(jnp.arange(NUM_POSITIONS, dtype=idt) + 1, NUM_ITEMS),
        jnp.zeros((1,), dtype=idt),
    ])
    behavior_token_indices = jnp.arange(0, NUM_ITEMS * NUM_POSITIONS, NUM_POSITIONS) + 1

    batch_size, seq_length = input_id_sequence.shape
    position_index = jnp.tile(pre_generated_position_index[None, :], (batch_size, 1))
    mask = (input_id_sequence == PAD) | (input_id_sequence == EOS)
    position_index = jnp.where(mask, jnp.zeros_like(position_index), position_index)

    behavior_tokens = input_id_sequence[:, behavior_token_indices]  # gather
    repeat_behavior_tokens = jnp.repeat(behavior_tokens, NUM_POSITIONS, axis=1)
    zeros_col = jnp.zeros((batch_size, 1), dtype=idt)
    repeat_behavior_tokens = jnp.concatenate([zeros_col, repeat_behavior_tokens, zeros_col], axis=1)
    repeat_behavior_tokens = repeat_behavior_tokens.at[:, behavior_token_indices].set(0)  # scatter-overwrite
    repeat_behavior_tokens = jnp.where(repeat_behavior_tokens == EOS,
                                       jnp.zeros_like(repeat_behavior_tokens),
                                       repeat_behavior_tokens)
    return (position_index, repeat_behavior_tokens)

if __name__ == "__main__":
    import jax
    _d = setup_inputs()
    print(jax.jit(kernel)(*tuple(_d.values())))

</pallas_src>

<mosaic_0001>
#map = affine_map<(d0, d1) -> (0, 0)>
module attributes {stable_mosaic.version = 14 : i64} {
  func.func @_router_body(%arg0: i32, %arg1: i32, %arg2: memref<4x8190xi32, #tpu.memory_space<hbm>>, %arg3: memref<4x8190xi32, #tpu.memory_space<hbm>>, %arg4: memref<4x8190xi32, #tpu.memory_space<hbm>>, %arg5: memref<1x2688xi32, #tpu.memory_space<vmem>>, %arg6: memref<1x2048xi32, #tpu.memory_space<vmem>>, %arg7: memref<1x2048xi32, #tpu.memory_space<vmem>>, %arg8: memref<!tpu.dma_semaphore, #tpu.memory_space<semaphore_mem>>, %arg9: memref<!tpu.dma_semaphore, #tpu.memory_space<semaphore_mem>>) attributes {dimension_semantics = [#tpu.dimension_semantics<core_parallel>, #tpu.dimension_semantics<subcore_parallel>], iteration_bounds = array<i64: 1, 16>, scalar_prefetch = 0 : i64, scratch_operands = 5 : i64, tpu.core_type = #tpu.core_type<sc_vector_subcore>, window_params = [{transform_indices = #map}, {transform_indices = #map}, {transform_indices = #map}]} {
    %mul3A = arith.constant 512 : i32
    %mul3A_0 = arith.muli %arg1, %mul3A : i32
    %multiple_of3A = tpu.assume_multiple %mul3A_0, 128 : i32
    %sub3A = arith.constant 128 : i32
    %sub3A_1 = arith.subi %multiple_of3A, %sub3A : i32
    %max3A = arith.constant 0 : i32
    %max3A_2 = arith.maxsi %sub3A_1, %max3A : i32
    %multiple_of3A_3 = tpu.assume_multiple %max3A_2, 128 : i32
    %sub3A_4 = arith.subi %multiple_of3A, %multiple_of3A_3 : i32
    "tpu.region"() ({
      %run_scoped3A = tpu.sem_alloc : memref<!tpu.dma_semaphore, #tpu.memory_space<semaphore_mem>>
      %dma_start3A_72 = arith.constant 0 : i32
      %dma_start3A_73 = arith.constant 128 : i32
      %dma_start3A_74 = tpu.memref_slice %arg5[%dma_start3A_72, %dma_start3A_73] : memref<1x2688xi32, #tpu.memory_space<vmem>> -> memref<1x2560xi32, #tpu.memory_space<vmem>>
      %dma_start3A_75 = tpu.memref_reshape %dma_start3A_74 : memref<1x2560xi32, #tpu.memory_space<vmem>> -> memref<4x640xi32, #tpu.memory_space<vmem>>
      %dma_start3A_76 = arith.constant 0 : i32
      %dma_start3A_77 = tpu.memref_slice %arg2[%dma_start3A_76, %multiple_of3A_3] : memref<4x8190xi32, #tpu.memory_space<hbm>> -> memref<4x640xi32, #tpu.memory_space<hbm>>
      %dma_start3A_78 = arith.constant 0 : i32
      %dma_start3A_79 = arith.constant 128 : i32
      %dma_start3A_80 = tpu.memref_slice %arg5[%dma_start3A_78, %dma_start3A_79] : memref<1x2688xi32, #tpu.memory_space<vmem>> -> memref<1x2560xi32, #tpu.memory_space<vmem>>
      %dma_start3A_81 = tpu.memref_reshape %dma_start3A_80 : memref<1x2560xi32, #tpu.memory_space<vmem>> -> memref<4x640xi32, #tpu.memory_space<vmem>>
      %dma_start3A_82 = arith.constant 0 : i32
      %dma_start3A_83 = tpu.memref_slice %arg2[%dma_start3A_82, %multiple_of3A_3] : memref<4x8190xi32, #tpu.memory_space<hbm>> -> memref<4x640xi32, #tpu.memory_space<hbm>>
      tpu.enqueue_dma source(%dma_start3A_83 : memref<4x640xi32, #tpu.memory_space<hbm>>) target(%dma_start3A_81 : memref<4x640xi32, #tpu.memory_space<vmem>>) target_semaphore(%run_scoped3A : memref<!tpu.dma_semaphore, #tpu.memory_space<semaphore_mem>>)
      %dma_wait3A_84 = arith.constant 0 : i32
      %dma_wait3A_85 = arith.constant 128 : i32
      %dma_wait3A_86 = tpu.memref_slice %arg5[%dma_wait3A_84, %dma_wait3A_85] : memref<1x2688xi32, #tpu.memory_space<vmem>> -> memref<1x2560xi32, #tpu.memory_space<vmem>>
      %dma_wait3A_87 = tpu.memref_reshape %dma_wait3A_86 : memref<1x2560xi32, #tpu.memory_space<vmem>> -> memref<4x640xi32, #tpu.memory_space<vmem>>
      %dma_wait3A_88 = arith.constant 0 : i32
      %dma_wait3A_89 = tpu.memref_slice %arg2[%dma_wait3A_88, %multiple_of3A_3] : memref<4x8190xi32, #tpu.memory_space<hbm>> -> memref<4x640xi32, #tpu.memory_space<hbm>>
      %dma_wait3A_90 = arith.constant 0 : i32
      %dma_wait3A_91 = arith.constant 128 : i32
      %dma_wait3A_92 = tpu.memref_slice %arg5[%dma_wait3A_90, %dma_wait3A_91] : memref<1x2688xi32, #tpu.memory_space<vmem>> -> memref<1x2560xi32, #tpu.memory_space<vmem>>
      %dma_wait3A_93 = tpu.memref_reshape %dma_wait3A_92 : memref<1x2560xi32, #tpu.memory_space<vmem>> -> memref<4x640xi32, #tpu.memory_space<vmem>>
      %dma_wait3A_94 = arith.constant 0 : i32
      %dma_wait3A_95 = tpu.memref_slice %arg2[%dma_wait3A_94, %multiple_of3A_3] : memref<4x8190xi32, #tpu.memory_space<hbm>> -> memref<4x640xi32, #tpu.memory_space<hbm>>
      tpu.wait_dma2 semaphore(%run_scoped3A : memref<!tpu.dma_semaphore, #tpu.memory_space<semaphore_mem>>) src(%dma_wait3A_95 : memref<4x640xi32, #tpu.memory_space<hbm>>) dst(%dma_wait3A_93 : memref<4x640xi32, #tpu.memory_space<vmem>>)
      tpu.yield
    }) : () -> ()
    %iota3A = tpu.iota {dimensions = array<i32: 0>} : vector<16xi32>
    %add3A = arith.constant 3 : i32
    %add3A_5 = vector.broadcast %add3A : i32 to vector<16xi32>
    %add3A_6 = arith.addi %iota3A, %add3A_5 : vector<16xi32>
    %and3A = arith.constant 3 : i32
    %and3A_7 = vector.broadcast %and3A : i32 to vector<16xi32>
    %and3A_8 = arith.andi %add3A_6, %and3A_7 : vector<16xi32>
    %eq3A = arith.constant 1 : i32
    %eq3A_9 = vector.broadcast %eq3A : i32 to vector<16xi32>
    %eq3A_10 = arith.cmpi eq, %and3A_8, %eq3A_9 : vector<16xi32>
    %eq3A_11 = arith.constant 2 : i32
    %eq3A_12 = vector.broadcast %eq3A_11 : i32 to vector<16xi32>
    %eq3A_13 = arith.cmpi eq, %and3A_8, %eq3A_12 : vector<16xi32>
    %eq3A_14 = arith.constant 0 : i32
    %eq3A_15 = vector.broadcast %eq3A_14 : i32 to vector<16xi32>
    %eq3A_16 = arith.cmpi eq, %and3A_8, %eq3A_15 : vector<16xi32>
    %add3A_17 = arith.constant 1 : i32
    %add3A_18 = vector.broadcast %add3A_17 : i32 to vector<16xi32>
    %add3A_19 = arith.addi %and3A_8, %add3A_18 : vector<16xi32>
    %broadcast_in_dim3A = arith.constant 0 : i32
    %broadcast_in_dim3A_20 = vector.broadcast %broadcast_in_dim3A : i32 to vector<16xi32>
    %broadcast_in_dim3A_21 = arith.constant 1 : i32
    %broadcast_in_dim3A_22 = vector.broadcast %broadcast_in_dim3A_21 : i32 to vector<16xi32>
    %add3A_23 = arith.constant 128 : i32
    %add3A_24 = arith.addi %add3A_23, %sub3A_4 : i32
    %parallel_loop3A = arith.constant 0 : i32
    %parallel_loop3A_25 = arith.constant 32 : i32
    %parallel_loop3A_26 = arith.constant 1 : i32
    scf.for %parallel_loop3A_72 = %parallel_loop3A to %parallel_loop3A_25 step %parallel_loop3A_26  : i32 {
      %parallel_loop3A_73 = arith.constant 16 : i32
      %parallel_loop3A_74 = arith.muli %parallel_loop3A_72, %parallel_loop3A_73 : i32
      %parallel_loop3A_75 = arith.addi %add3A_24, %parallel_loop3A_74 : i32
      %parallel_loop3A_76 = arith.constant 0 : i32
      %parallel_loop3A_77 = arith.addi %parallel_loop3A_76, %parallel_loop3A_74 : i32
      %parallel_loop3A_78 = arith.constant 0 : i32
      %parallel_loop3A_79 = arith.index_cast %parallel_loop3A_78 : i32 to index
      %parallel_loop3A_80 = arith.index_cast %parallel_loop3A_75 : i32 to index
      %parallel_loop3A_81 = tpu.vector_load %arg5[%parallel_loop3A_79, %parallel_loop3A_80] {strides = array<i32>} : memref<1x2688xi32, #tpu.memory_space<vmem>>, vector<1x16xi32>,
      %parallel_loop3A_82 = vector.shape_cast %parallel_loop3A_81 : vector<1x16xi32> to vector<16xi32>
      %parallel_loop3A_83 = arith.constant 1 : i32
      %parallel_loop3A_84 = arith.subi %parallel_loop3A_75, %parallel_loop3A_83 : i32
      %parallel_loop3A_85 = arith.constant 0 : i32
      %parallel_loop3A_86 = arith.index_cast %parallel_loop3A_85 : i32 to index
      %parallel_loop3A_87 = arith.index_cast %parallel_loop3A_84 : i32 to index
      %parallel_loop3A_88 = tpu.vector_load %arg5[%parallel_loop3A_86, %parallel_loop3A_87] {strides = array<i32>} : memref<1x2688xi32, #tpu.memory_space<vmem>>, vector<1x16xi32>,
      %parallel_loop3A_89 = vector.shape_cast %parallel_loop3A_88 : vector<1x16xi32> to vector<16xi32>
      %parallel_loop3A_90 = arith.constant 2 : i32
      %parallel_loop3A_91 = arith.subi %parallel_loop3A_75, %parallel_loop3A_90 : i32
      %parallel_loop3A_92 = arith.constant 0 : i32
      %parallel_loop3A_93 = arith.index_cast %parallel_loop3A_92 : i32 to index
      %parallel_loop3A_94 = arith.index_cast %parallel_loop3A_91 : i32 to index
      %parallel_loop3A_95 = tpu.vector_load %arg5[%parallel_loop3A_93, %parallel_loop3A_94] {strides = array<i32>} : memref<1x2688xi32, #tpu.memory_space<vmem>>, vector<1x16xi32>,
      %parallel_loop3A_96 = vector.shape_cast %parallel_loop3A_95 : vector<1x16xi32> to vector<16xi32>
      %parallel_loop3A_97 = arith.constant 3 : i32
      %parallel_loop3A_98 = arith.subi %parallel_loop3A_75, %parallel_loop3A_97 : i32
      %parallel_loop3A_99 = arith.constant 0 : i32
      %parallel_loop3A_100 = arith.index_cast %parallel_loop3A_99 : i32 to index
      %parallel_loop3A_101 = arith.index_cast %parallel_loop3A_98 : i32 to index
      %parallel_loop3A_102 = tpu.vector_load %arg5[%parallel_loop3A_100, %parallel_loop3A_101] {strides = array<i32>} : memref<1x2688xi32, #tpu.memory_space<vmem>>, vector<1x16xi32>,
      %parallel_loop3A_103 = vector.shape_cast %parallel_loop3A_102 : vector<1x16xi32> to vector<16xi32>
      %parallel_loop3A_104 = arith.select %eq3A_13, %parallel_loop3A_96, %parallel_loop3A_103 : vector<16xi1>, vector<16xi32>
      %parallel_loop3A_105 = arith.select %eq3A_10, %parallel_loop3A_89, %parallel_loop3A_104 : vector<16xi1>, vector<16xi32>
      %parallel_loop3A_106 = vector.bitcast %parallel_loop3A_82 : vector<16xi32> to vector<16xi32>
      %parallel_loop3A_107 = arith.cmpi ule, %parallel_loop3A_106, %broadcast_in_dim3A_22 : vector<16xi32>
      %parallel_loop3A_108 = arith.select %parallel_loop3A_107, %broadcast_in_dim3A_20, %add3A_19 : vector<16xi1>, vector<16xi32>
      %parallel_loop3A_109 = arith.constant 1 : i32
      %parallel_loop3A_110 = vector.broadcast %parallel_loop3A_109 : i32 to vector<16xi32>
      %parallel_loop3A_111 = arith.cmpi eq, %parallel_loop3A_105, %parallel_loop3A_110 : vector<16xi32>
      %parallel_loop3A_112 = arith.ori %eq3A_16, %parallel_loop3A_111 : vector<16xi1>
      %parallel_loop3A_113 = arith.select %parallel_loop3A_112, %broadcast_in_dim3A_20, %parallel_loop3A_105 : vector<16xi1>, vector<16xi32>
      %parallel_loop3A_114 = arith.constant 0 : i32
      %parallel_loop3A_115 = arith.index_cast %parallel_loop3A_114 : i32 to index
      %parallel_loop3A_116 = arith.index_cast %parallel_loop3A_77 : i32 to index
      %parallel_loop3A_117 = tpu.vector_load %arg6[%parallel_loop3A_115, %parallel_loop3A_116] {strides = array<i32>} : memref<1x2048xi32, #tpu.memory_space<vmem>>, vector<1x16xi32>,
      %parallel_loop3A_118 = vector.shape_cast %parallel_loop3A_117 : vector<1x16xi32> to vector<16xi32>
      %parallel_loop3A_119 = vector.shape_cast %parallel_loop3A_108 : vector<16xi32> to vector<1x16xi32>
      tpu.vector_store %arg6[%parallel_loop3A_115, %parallel_loop3A_116], %parallel_loop3A_119 {strides = array<i32>} : memref<1x2048xi32, #tpu.memory_space<vmem>>, vector<1x16xi32>,
      %parallel_loop3A_120 = arith.constant 0 : i32
      %parallel_loop3A_121 = arith.index_cast %parallel_loop3A_120 : i32 to index
      %parallel_loop3A_122 = arith.index_cast %parallel_loop3A_77 : i32 to index
      %parallel_loop3A_123 = tpu.vector_load %arg7[%parallel_loop3A_121, %parallel_loop3A_122] {strides = array<i32>} : memref<1x2048xi32, #tpu.memory_space<vmem>>, vector<1x16xi32>,
      %parallel_loop3A_124 = vector.shape_cast %parallel_loop3A_123 : vector<1x16xi32> to vector<16xi32>
      %parallel_loop3A_125 = vector.shape_cast %parallel_loop3A_113 : vector<16xi32> to vector<1x16xi32>
      tpu.vector_store %arg7[%parallel_loop3A_121, %parallel_loop3A_122], %parallel_loop3A_125 {strides = array<i32>} : memref<1x2048xi32, #tpu.memory_space<vmem>>, vector<1x16xi32>,
    } {sc.loop_unroll_factor = 4 : i64, sc.parallel_access}
    %add3A_27 = arith.constant 768 : i32
    %add3A_28 = arith.addi %add3A_27, %sub3A_4 : i32
    %parallel_loop3A_29 = arith.constant 0 : i32
    %parallel_loop3A_30 = arith.constant 32 : i32
    %parallel_loop3A_31 = arith.constant 1 : i32
    scf.for %parallel_loop3A_72 = %parallel_loop3A_29 to %parallel_loop3A_30 step %parallel_loop3A_31  : i32 {
      %parallel_loop3A_73 = arith.constant 16 : i32
      %parallel_loop3A_74 = arith.muli %parallel_loop3A_72, %parallel_loop3A_73 : i32
      %parallel_loop3A_75 = arith.addi %add3A_28, %parallel_loop3A_74 : i32
      %parallel_loop3A_76 = arith.constant 512 : i32
      %parallel_loop3A_77 = arith.addi %parallel_loop3A_76, %parallel_loop3A_74 : i32
      %parallel_loop3A_78 = arith.constant 0 : i32
      %parallel_loop3A_79 = arith.index_cast %parallel_loop3A_78 : i32 to index
      %parallel_loop3A_80 = arith.index_cast %parallel_loop3A_75 : i32 to index
      %parallel_loop3A_81 = tpu.vector_load %arg5[%parallel_loop3A_79, %parallel_loop3A_80] {strides = array<i32>} : memref<1x2688xi32, #tpu.memory_space<vmem>>, vector<1x16xi32>,
      %parallel_loop3A_82 = vector.shape_cast %parallel_loop3A_81 : vector<1x16xi32> to vector<16xi32>
      %parallel_loop3A_83 = arith.constant 1 : i32
      %parallel_loop3A_84 = arith.subi %parallel_loop3A_75, %parallel_loop3A_83 : i32
      %parallel_loop3A_85 = arith.constant 0 : i32
      %parallel_loop3A_86 = arith.index_cast %parallel_loop3A_85 : i32 to index
      %parallel_loop3A_87 = arith.index_cast %parallel_loop3A_84 : i32 to index
      %parallel_loop3A_88 = tpu.vector_load %arg5[%parallel_loop3A_86, %parallel_loop3A_87] {strides = array<i32>} : memref<1x2688xi32, #tpu.memory_space<vmem>>, vector<1x16xi32>,
      %parallel_loop3A_89 = vector.shape_cast %parallel_loop3A_88 : vector<1x16xi32> to vector<16xi32>
      %parallel_loop3A_90 = arith.constant 2 : i32
      %parallel_loop3A_91 = arith.subi %parallel_loop3A_75, %parallel_loop3A_90 : i32
      %parallel_loop3A_92 = arith.constant 0 : i32
      %parallel_loop3A_93 = arith.index_cast %parallel_loop3A_92 : i32 to index
      %parallel_loop3A_94 = arith.index_cast %parallel_loop3A_91 : i32 to index
      %parallel_loop3A_95 = tpu.vector_load %arg5[%parallel_loop3A_93, %parallel_loop3A_94] {strides = array<i32>} : memref<1x2688xi32, #tpu.memory_space<vmem>>, vector<1x16xi32>,
      %parallel_loop3A_96 = vector.shape_cast %parallel_loop3A_95 : vector<1x16xi32> to vector<16xi32>
      %parallel_loop3A_97 = arith.constant 3 : i32
      %parallel_loop3A_98 = arith.subi %parallel_loop3A_75, %parallel_loop3A_97 : i32
      %parallel_loop3A_99 = arith.constant 0 : i32
      %parallel_loop3A_100 = arith.index_cast %parallel_loop3A_99 : i32 to index
      %parallel_loop3A_101 = arith.index_cast %parallel_loop3A_98 : i32 to index
      %parallel_loop3A_102 = tpu.vector_load %arg5[%parallel_loop3A_100, %parallel_loop3A_101] {strides = array<i32>} : memref<1x2688xi32, #tpu.memory_space<vmem>>, vector<1x16xi32>,
      %parallel_loop3A_103 = vector.shape_cast %parallel_loop3A_102 : vector<1x16xi32> to vector<16xi32>
      %parallel_loop3A_104 = arith.select %eq3A_13, %parallel_loop3A_96, %parallel_loop3A_103 : vector<16xi1>, vector<16xi32>
      %parallel_loop3A_105 = arith.select %eq3A_10, %parallel_loop3A_89, %parallel_loop3A_104 : vector<16xi1>, vector<16xi32>
      %parallel_loop3A_106 = vector.bitcast %parallel_loop3A_82 : vector<16xi32> to vector<16xi32>
      %parallel_loop3A_107 = arith.cmpi ule, %parallel_loop3A_106, %broadcast_in_dim3A_22 : vector<16xi32>
      %parallel_loop3A_108 = arith.select %parallel_loop3A_107, %broadcast_in_dim3A_20, %add3A_19 : vector<16xi1>, vector<16xi32>
      %parallel_loop3A_109 = arith.constant 1 : i32
      %parallel_loop3A_110 = vector.broadcast %parallel_loop3A_109 : i32 to vector<16xi32>
      %parallel_loop3A_111 = arith.cmpi eq, %parallel_loop3A_105, %parallel_loop3A_110 : vector<16xi32>
      %parallel_loop3A_112 = arith.ori %eq3A_16, %parallel_loop3A_111 : vector<16xi1>
      %parallel_loop3A_113 = arith.select %parallel_loop3A_112, %broadcast_in_dim3A_20, %parallel_loop3A_105 : vector<16xi1>, vector<16xi32>
      %parallel_loop3A_114 = arith.constant 0 : i32
      %parallel_loop3A_115 = arith.index_cast %parallel_loop3A_114 : i32 to index
      %parallel_loop3A_116 = arith.index_cast %parallel_loop3A_77 : i32 to index
      %parallel_loop3A_117 = tpu.vector_load %arg6[%parallel_loop3A_115, %parallel_loop3A_116] {strides = array<i32>} : memref<1x2048xi32, #tpu.memory_space<vmem>>, vector<1x16xi32>,
      %parallel_loop3A_118 = vector.shape_cast %parallel_loop3A_117 : vector<1x16xi32> to vector<16xi32>
      %parallel_loop3A_119 = vector.shape_cast %parallel_loop3A_108 : vector<16xi32> to vector<1x16xi32>
      tpu.vector_store %arg6[%parallel_loop3A_115, %parallel_loop3A_116], %parallel_loop3A_119 {strides = array<i32>} : memref<1x2048xi32, #tpu.memory_space<vmem>>, vector<1x16xi32>,
      %parallel_loop3A_120 = arith.constant 0 : i32
      %parallel_loop3A_121 = arith.index_cast %parallel_loop3A_120 : i32 to index
      %parallel_loop3A_122 = arith.index_cast %parallel_loop3A_77 : i32 to index
      %parallel_loop3A_123 = tpu.vector_load %arg7[%parallel_loop3A_121, %parallel_loop3A_122] {strides = array<i32>} : memref<1x2048xi32, #tpu.memory_space<vmem>>, vector<1x16xi32>,
      %parallel_loop3A_124 = vector.shape_cast %parallel_loop3A_123 : vector<1x16xi32> to vector<16xi32>
      %parallel_loop3A_125 = vector.shape_cast %parallel_loop3A_113 : vector<16xi32> to vector<1x16xi32>
      tpu.vector_store %arg7[%parallel_loop3A_121, %parallel_loop3A_122], %parallel_loop3A_125 {strides = array<i32>} : memref<1x2048xi32, #tpu.memory_space<vmem>>, vector<1x16xi32>,
    } {sc.loop_unroll_factor = 4 : i64, sc.parallel_access}
    %add3A_32 = arith.constant 1408 : i32
    %add3A_33 = arith.addi %add3A_32, %sub3A_4 : i32
    %parallel_loop3A_34 = arith.constant 0 : i32
    %parallel_loop3A_35 = arith.constant 32 : i32
    %parallel_loop3A_36 = arith.constant 1 : i32
    scf.for %parallel_loop3A_72 = %parallel_loop3A_34 to %parallel_loop3A_35 step %parallel_loop3A_36  : i32 {
      %parallel_loop3A_73 = arith.constant 16 : i32
      %parallel_loop3A_74 = arith.muli %parallel_loop3A_72, %parallel_loop3A_73 : i32
      %parallel_loop3A_75 = arith.addi %add3A_33, %parallel_loop3A_74 : i32
      %parallel_loop3A_76 = arith.constant 1024 : i32
      %parallel_loop3A_77 = arith.addi %parallel_loop3A_76, %parallel_loop3A_74 : i32
      %parallel_loop3A_78 = arith.constant 0 : i32
      %parallel_loop3A_79 = arith.index_cast %parallel_loop3A_78 : i32 to index
      %parallel_loop3A_80 = arith.index_cast %parallel_loop3A_75 : i32 to index
      %parallel_loop3A_81 = tpu.vector_load %arg5[%parallel_loop3A_79, %parallel_loop3A_80] {strides = array<i32>} : memref<1x2688xi32, #tpu.memory_space<vmem>>, vector<1x16xi32>,
      %parallel_loop3A_82 = vector.shape_cast %parallel_loop3A_81 : vector<1x16xi32> to vector<16xi32>
      %parallel_loop3A_83 = arith.constant 1 : i32
      %parallel_loop3A_84 = arith.subi %parallel_loop3A_75, %parallel_loop3A_83 : i32
      %parallel_loop3A_85 = arith.constant 0 : i32
      %parallel_loop3A_86 = arith.index_cast %parallel_loop3A_85 : i32 to index
      %parallel_loop3A_87 = arith.index_cast %parallel_loop3A_84 : i32 to index
      %parallel_loop3A_88 = tpu.vector_load %arg5[%parallel_loop3A_86, %parallel_loop3A_87] {strides = array<i32>} : memref<1x2688xi32, #tpu.memory_space<vmem>>, vector<1x16xi32>,
      %parallel_loop3A_89 = vector.shape_cast %parallel_loop3A_88 : vector<1x16xi32> to vector<16xi32>
      %parallel_loop3A_90 = arith.constant 2 : i32
      %parallel_loop3A_91 = arith.subi %parallel_loop3A_75, %parallel_loop3A_90 : i32
      %parallel_loop3A_92 = arith.constant 0 : i32
      %parallel_loop3A_93 = arith.index_cast %parallel_loop3A_92 : i32 to index
      %parallel_loop3A_94 = arith.index_cast %parallel_loop3A_91 : i32 to index
      %parallel_loop3A_95 = tpu.vector_load %arg5[%parallel_loop3A_93, %parallel_loop3A_94] {strides = array<i32>} : memref<1x2688xi32, #tpu.memory_space<vmem>>, vector<1x16xi32>,
      %parallel_loop3A_96 = vector.shape_cast %parallel_loop3A_95 : vector<1x16xi32> to vector<16xi32>
      %parallel_loop3A_97 = arith.constant 3 : i32
      %parallel_loop3A_98 = arith.subi %parallel_loop3A_75, %parallel_loop3A_97 : i32
      %parallel_loop3A_99 = arith.constant 0 : i32
      %parallel_loop3A_100 = arith.index_cast %parallel_loop3A_99 : i32 to index
      %parallel_loop3A_101 = arith.index_cast %parallel_loop3A_98 : i32 to index
      %parallel_loop3A_102 = tpu.vector_load %arg5[%parallel_loop3A_100, %parallel_loop3A_101] {strides = array<i32>} : memref<1x2688xi32, #tpu.memory_space<vmem>>, vector<1x16xi32>,
      %parallel_loop3A_103 = vector.shape_cast %parallel_loop3A_102 : vector<1x16xi32> to vector<16xi32>
      %parallel_loop3A_104 = arith.select %eq3A_13, %parallel_loop3A_96, %parallel_loop3A_103 : vector<16xi1>, vector<16xi32>
      %parallel_loop3A_105 = arith.select %eq3A_10, %parallel_loop3A_89, %parallel_loop3A_104 : vector<16xi1>, vector<16xi32>
      %parallel_loop3A_106 = vector.bitcast %parallel_loop3A_82 : vector<16xi32> to vector<16xi32>
      %parallel_loop3A_107 = arith.cmpi ule, %parallel_loop3A_106, %broadcast_in_dim3A_22 : vector<16xi32>
      %parallel_loop3A_108 = arith.select %parallel_loop3A_107, %broadcast_in_dim3A_20, %add3A_19 : vector<16xi1>, vector<16xi32>
      %parallel_loop3A_109 = arith.constant 1 : i32
      %parallel_loop3A_110 = vector.broadcast %parallel_loop3A_109 : i32 to vector<16xi32>
      %parallel_loop3A_111 = arith.cmpi eq, %parallel_loop3A_105, %parallel_loop3A_110 : vector<16xi32>
      %parallel_loop3A_112 = arith.ori %eq3A_16, %parallel_loop3A_111 : vector<16xi1>
      %parallel_loop3A_113 = arith.select %parallel_loop3A_112, %broadcast_in_dim3A_20, %parallel_loop3A_105 : vector<16xi1>, vector<16xi32>
      %parallel_loop3A_114 = arith.constant 0 : i32
      %parallel_loop3A_115 = arith.index_cast %parallel_loop3A_114 : i32 to index
      %parallel_loop3A_116 = arith.index_cast %parallel_loop3A_77 : i32 to index
      %parallel_loop3A_117 = tpu.vector_load %arg6[%parallel_loop3A_115, %parallel_loop3A_116] {strides = array<i32>} : memref<1x2048xi32, #tpu.memory_space<vmem>>, vector<1x16xi32>,
      %parallel_loop3A_118 = vector.shape_cast %parallel_loop3A_117 : vector<1x16xi32> to vector<16xi32>
      %parallel_loop3A_119 = vector.shape_cast %parallel_loop3A_108 : vector<16xi32> to vector<1x16xi32>
      tpu.vector_store %arg6[%parallel_loop3A_115, %parallel_loop3A_116], %parallel_loop3A_119 {strides = array<i32>} : memref<1x2048xi32, #tpu.memory_space<vmem>>, vector<1x16xi32>,
      %parallel_loop3A_120 = arith.constant 0 : i32
      %parallel_loop3A_121 = arith.index_cast %parallel_loop3A_120 : i32 to index
      %parallel_loop3A_122 = arith.index_cast %parallel_loop3A_77 : i32 to index
      %parallel_loop3A_123 = tpu.vector_load %arg7[%parallel_loop3A_121, %parallel_loop3A_122] {strides = array<i32>} : memref<1x2048xi32, #tpu.memory_space<vmem>>, vector<1x16xi32>,
      %parallel_loop3A_124 = vector.shape_cast %parallel_loop3A_123 : vector<1x16xi32> to vector<16xi32>
      %parallel_loop3A_125 = vector.shape_cast %parallel_loop3A_113 : vector<16xi32> to vector<1x16xi32>
      tpu.vector_store %arg7[%parallel_loop3A_121, %parallel_loop3A_122], %parallel_loop3A_125 {strides = array<i32>} : memref<1x2048xi32, #tpu.memory_space<vmem>>, vector<1x16xi32>,
    } {sc.loop_unroll_factor = 4 : i64, sc.parallel_access}
    %add3A_37 = arith.constant 2048 : i32
    %add3A_38 = arith.addi %add3A_37, %sub3A_4 : i32
    %parallel_loop3A_39 = arith.constant 0 : i32
    %parallel_loop3A_40 = arith.constant 32 : i32
    %parallel_loop3A_41 = arith.constant 1 : i32
    scf.for %parallel_loop3A_72 = %parallel_loop3A_39 to %parallel_loop3A_40 step %parallel_loop3A_41  : i32 {
      %parallel_loop3A_73 = arith.constant 16 : i32
      %parallel_loop3A_74 = arith.muli %parallel_loop3A_72, %parallel_loop3A_73 : i32
      %parallel_loop3A_75 = arith.addi %add3A_38, %parallel_loop3A_74 : i32
      %parallel_loop3A_76 = arith.constant 1536 : i32
      %parallel_loop3A_77 = arith.addi %parallel_loop3A_76, %parallel_loop3A_74 : i32
      %parallel_loop3A_78 = arith.constant 0 : i32
      %parallel_loop3A_79 = arith.index_cast %parallel_loop3A_78 : i32 to index
      %parallel_loop3A_80 = arith.index_cast %parallel_loop3A_75 : i32 to index
      %parallel_loop3A_81 = tpu.vector_load %arg5[%parallel_loop3A_79, %parallel_loop3A_80] {strides = array<i32>} : memref<1x2688xi32, #tpu.memory_space<vmem>>, vector<1x16xi32>,
      %parallel_loop3A_82 = vector.shape_cast %parallel_loop3A_81 : vector<1x16xi32> to vector<16xi32>
      %parallel_loop3A_83 = arith.constant 1 : i32
      %parallel_loop3A_84 = arith.subi %parallel_loop3A_75, %parallel_loop3A_83 : i32
      %parallel_loop3A_85 = arith.constant 0 : i32
      %parallel_loop3A_86 = arith.index_cast %parallel_loop3A_85 : i32 to index
      %parallel_loop3A_87 = arith.index_cast %parallel_loop3A_84 : i32 to index
      %parallel_loop3A_88 = tpu.vector_load %arg5[%parallel_loop3A_86, %parallel_loop3A_87] {strides = array<i32>} : memref<1x2688xi32, #tpu.memory_space<vmem>>, vector<1x16xi32>,
      %parallel_loop3A_89 = vector.shape_cast %parallel_loop3A_88 : vector<1x16xi32> to vector<16xi32>
      %parallel_loop3A_90 = arith.constant 2 : i32
      %parallel_loop3A_91 = arith.subi %parallel_loop3A_75, %parallel_loop3A_90 : i32
      %parallel_loop3A_92 = arith.constant 0 : i32
      %parallel_loop3A_93 = arith.index_cast %parallel_loop3A_92 : i32 to index
      %parallel_loop3A_94 = arith.index_cast %parallel_loop3A_91 : i32 to index
      %parallel_loop3A_95 = tpu.vector_load %arg5[%parallel_loop3A_93, %parallel_loop3A_94] {strides = array<i32>} : memref<1x2688xi32, #tpu.memory_space<vmem>>, vector<1x16xi32>,
      %parallel_loop3A_96 = vector.shape_cast %parallel_loop3A_95 : vector<1x16xi32> to vector<16xi32>
      %parallel_loop3A_97 = arith.constant 3 : i32
      %parallel_loop3A_98 = arith.subi %parallel_loop3A_75, %parallel_loop3A_97 : i32
      %parallel_loop3A_99 = arith.constant 0 : i32
      %parallel_loop3A_100 = arith.index_cast %parallel_loop3A_99 : i32 to index
      %parallel_loop3A_101 = arith.index_cast %parallel_loop3A_98 : i32 to index
      %parallel_loop3A_102 = tpu.vector_load %arg5[%parallel_loop3A_100, %parallel_loop3A_101] {strides = array<i32>} : memref<1x2688xi32, #tpu.memory_space<vmem>>, vector<1x16xi32>,
      %parallel_loop3A_103 = vector.shape_cast %parallel_loop3A_102 : vector<1x16xi32> to vector<16xi32>
      %parallel_loop3A_104 = arith.select %eq3A_13, %parallel_loop3A_96, %parallel_loop3A_103 : vector<16xi1>, vector<16xi32>
      %parallel_loop3A_105 = arith.select %eq3A_10, %parallel_loop3A_89, %parallel_loop3A_104 : vector<16xi1>, vector<16xi32>
      %parallel_loop3A_106 = vector.bitcast %parallel_loop3A_82 : vector<16xi32> to vector<16xi32>
      %parallel_loop3A_107 = arith.cmpi ule, %parallel_loop3A_106, %broadcast_in_dim3A_22 : vector<16xi32>
      %parallel_loop3A_108 = arith.select %parallel_loop3A_107, %broadcast_in_dim3A_20, %add3A_19 : vector<16xi1>, vector<16xi32>
      %parallel_loop3A_109 = arith.constant 1 : i32
      %parallel_loop3A_110 = vector.broadcast %parallel_loop3A_109 : i32 to vector<16xi32>
      %parallel_loop3A_111 = arith.cmpi eq, %parallel_loop3A_105, %parallel_loop3A_110 : vector<16xi32>
      %parallel_loop3A_112 = arith.ori %eq3A_16, %parallel_loop3A_111 : vector<16xi1>
      %parallel_loop3A_113 = arith.select %parallel_loop3A_112, %broadcast_in_dim3A_20, %parallel_loop3A_105 : vector<16xi1>, vector<16xi32>
      %parallel_loop3A_114 = arith.constant 0 : i32
      %parallel_loop3A_115 = arith.index_cast %parallel_loop3A_114 : i32 to index
      %parallel_loop3A_116 = arith.index_cast %parallel_loop3A_77 : i32 to index
      %parallel_loop3A_117 = tpu.vector_load %arg6[%parallel_loop3A_115, %parallel_loop3A_116] {strides = array<i32>} : memref<1x2048xi32, #tpu.memory_space<vmem>>, vector<1x16xi32>,
      %parallel_loop3A_118 = vector.shape_cast %parallel_loop3A_117 : vector<1x16xi32> to vector<16xi32>
      %parallel_loop3A_119 = vector.shape_cast %parallel_loop3A_108 : vector<16xi32> to vector<1x16xi32>
      tpu.vector_store %arg6[%parallel_loop3A_115, %parallel_loop3A_116], %parallel_loop3A_119 {strides = array<i32>} : memref<1x2048xi32, #tpu.memory_space<vmem>>, vector<1x16xi32>,
      %parallel_loop3A_120 = arith.constant 0 : i32
      %parallel_loop3A_121 = arith.index_cast %parallel_loop3A_120 : i32 to index
      %parallel_loop3A_122 = arith.index_cast %parallel_loop3A_77 : i32 to index
      %parallel_loop3A_123 = tpu.vector_load %arg7[%parallel_loop3A_121, %parallel_loop3A_122] {strides = array<i32>} : memref<1x2048xi32, #tpu.memory_space<vmem>>, vector<1x16xi32>,
      %parallel_loop3A_124 = vector.shape_cast %parallel_loop3A_123 : vector<1x16xi32> to vector<16xi32>
      %parallel_loop3A_125 = vector.shape_cast %parallel_loop3A_113 : vector<16xi32> to vector<1x16xi32>
      tpu.vector_store %arg7[%parallel_loop3A_121, %parallel_loop3A_122], %parallel_loop3A_125 {strides = array<i32>} : memref<1x2048xi32, #tpu.memory_space<vmem>>, vector<1x16xi32>,
    } {sc.loop_unroll_factor = 4 : i64, sc.parallel_access}
    %eq3A_42 = arith.constant 0 : i32
    %eq3A_43 = arith.cmpi eq, %arg1, %eq3A_42 : i32
    %convert_element_type3A = arith.extui %eq3A_43 : i1 to i32
    %cond3A = arith.constant 0 : i32
    %cond3A_44 = arith.cmpi ne, %convert_element_type3A, %cond3A : i32
    scf.if %cond3A_44 {
      %eq3A_72 = arith.constant 0 : i32
      %eq3A_73 = vector.broadcast %eq3A_72 : i32 to vector<16xi32>
      %eq3A_74 = arith.cmpi eq, %iota3A, %eq3A_73 : vector<16xi32>
      %get3A = arith.constant 0 : i32
      %get3A_75 = arith.index_cast %get3A : i32 to index
      %get3A_76 = arith.constant 0 : index
      %get3A_77 = tpu.vector_load %arg6[%get3A_75, %get3A_76] {strides = array<i32>} : memref<1x2048xi32, #tpu.memory_space<vmem>>, vector<1x16xi32>,
      %get3A_78 = vector.shape_cast %get3A_77 : vector<1x16xi32> to vector<16xi32>
      %select_n3A = arith.select %eq3A_74, %broadcast_in_dim3A_20, %get3A_78 : vector<16xi1>, vector<16xi32>
      %swap3A = arith.constant 0 : i32
      %swap3A_79 = arith.index_cast %swap3A : i32 to index
      %swap3A_80 = arith.constant 0 : index
      %swap3A_81 = tpu.vector_load %arg6[%swap3A_79, %swap3A_80] {strides = array<i32>} : memref<1x2048xi32, #tpu.memory_space<vmem>>, vector<1x16xi32>,
      %swap3A_82 = vector.shape_cast %swap3A_81 : vector<1x16xi32> to vector<16xi32>
      %swap3A_83 = vector.shape_cast %select_n3A : vector<16xi32> to vector<1x16xi32>
      tpu.vector_store %arg6[%swap3A_79, %swap3A_80], %swap3A_83 {strides = array<i32>} : memref<1x2048xi32, #tpu.memory_space<vmem>>, vector<1x16xi32>,
      %get3A_84 = arith.constant 0 : i32
      %get3A_85 = arith.index_cast %get3A_84 : i32 to index
      %get3A_86 = arith.constant 0 : index
      %get3A_87 = tpu.vector_load %arg7[%get3A_85, %get3A_86] {strides = array<i32>} : memref<1x2048xi32, #tpu.memory_space<vmem>>, vector<1x16xi32>,
      %get3A_88 = vector.shape_cast %get3A_87 : vector<1x16xi32> to vector<16xi32>
      %select_n3A_89 = arith.select %eq3A_74, %broadcast_in_dim3A_20, %get3A_88 : vector<16xi1>, vector<16xi32>
      %swap3A_90 = arith.constant 0 : i32
      %swap3A_91 = arith.index_cast %swap3A_90 : i32 to index
      %swap3A_92 = arith.constant 0 : index
      %swap3A_93 = tpu.vector_load %arg7[%swap3A_91, %swap3A_92] {strides = array<i32>} : memref<1x2048xi32, #tpu.memory_space<vmem>>, vector<1x16xi32>,
      %swap3A_94 = vector.shape_cast %swap3A_93 : vector<1x16xi32> to vector<16xi32>
      %swap3A_95 = vector.shape_cast %select_n3A_89 : vector<16xi32> to vector<1x16xi32>
      tpu.vector_store %arg7[%swap3A_91, %swap3A_92], %swap3A_95 {strides = array<i32>} : memref<1x2048xi32, #tpu.memory_space<vmem>>, vector<1x16xi32>,
      %get3A_96 = arith.constant 0 : i32
      %get3A_97 = arith.index_cast %get3A_96 : i32 to index
      %get3A_98 = arith.constant 512 : index
      %get3A_99 = tpu.vector_load %arg6[%get3A_97, %get3A_98] {strides = array<i32>} : memref<1x2048xi32, #tpu.memory_space<vmem>>, vector<1x16xi32>,
      %get3A_100 = vector.shape_cast %get3A_99 : vector<1x16xi32> to vector<16xi32>
      %select_n3A_101 = arith.select %eq3A_74, %broadcast_in_dim3A_20, %get3A_100 : vector<16xi1>, vector<16xi32>
      %swap3A_102 = arith.constant 0 : i32
      %swap3A_103 = arith.index_cast %swap3A_102 : i32 to index
      %swap3A_104 = arith.constant 512 : index
      %swap3A_105 = tpu.vector_load %arg6[%swap3A_103, %swap3A_104] {strides = array<i32>} : memref<1x2048xi32, #tpu.memory_space<vmem>>, vector<1x16xi32>,
      %swap3A_106 = vector.shape_cast %swap3A_105 : vector<1x16xi32> to vector<16xi32>
      %swap3A_107 = vector.shape_cast %select_n3A_101 : vector<16xi32> to vector<1x16xi32>
      tpu.vector_store %arg6[%swap3A_103, %swap3A_104], %swap3A_107 {strides = array<i32>} : memref<1x2048xi32, #tpu.memory_space<vmem>>, vector<1x16xi32>,
      %get3A_108 = arith.constant 0 : i32
      %get3A_109 = arith.index_cast %get3A_108 : i32 to index
      %get3A_110 = arith.constant 512 : index
      %get3A_111 = tpu.vector_load %arg7[%get3A_109, %get3A_110] {strides = array<i32>} : memref<1x2048xi32, #tpu.memory_space<vmem>>, vector<1x16xi32>,
      %get3A_112 = vector.shape_cast %get3A_111 : vector<1x16xi32> to vector<16xi32>
      %select_n3A_113 = arith.select %eq3A_74, %broadcast_in_dim3A_20, %get3A_112 : vector<16xi1>, vector<16xi32>
      %swap3A_114 = arith.constant 0 : i32
      %swap3A_115 = arith.index_cast %swap3A_114 : i32 to index
      %swap3A_116 = arith.constant 512 : index
      %swap3A_117 = tpu.vector_load %arg7[%swap3A_115, %swap3A_116] {strides = array<i32>} : memref<1x2048xi32, #tpu.memory_space<vmem>>, vector<1x16xi32>,
      %swap3A_118 = vector.shape_cast %swap3A_117 : vector<1x16xi32> to vector<16xi32>
      %swap3A_119 = vector.shape_cast %select_n3A_113 : vector<16xi32> to vector<1x16xi32>
      tpu.vector_store %arg7[%swap3A_115, %swap3A_116], %swap3A_119 {strides = array<i32>} : memref<1x2048xi32, #tpu.memory_space<vmem>>, vector<1x16xi32>,
      %get3A_120 = arith.constant 0 : i32
      %get3A_121 = arith.index_cast %get3A_120 : i32 to index
      %get3A_122 = arith.constant 1024 : index
      %get3A_123 = tpu.vector_load %arg6[%get3A_121, %get3A_122] {strides = array<i32>} : memref<1x2048xi32, #tpu.memory_space<vmem>>, vector<1x16xi32>,
      %get3A_124 = vector.shape_cast %get3A_123 : vector<1x16xi32> to vector<16xi32>
      %select_n3A_125 = arith.select %eq3A_74, %broadcast_in_dim3A_20, %get3A_124 : vector<16xi1>, vector<16xi32>
      %swap3A_126 = arith.constant 0 : i32
      %swap3A_127 = arith.index_cast %swap3A_126 : i32 to index
      %swap3A_128 = arith.constant 1024 : index
      %swap3A_129 = tpu.vector_load %arg6[%swap3A_127, %swap3A_128] {strides = array<i32>} : memref<1x2048xi32, #tpu.memory_space<vmem>>, vector<1x16xi32>,
      %swap3A_130 = vector.shape_cast %swap3A_129 : vector<1x16xi32> to vector<16xi32>
      %swap3A_131 = vector.shape_cast %select_n3A_125 : vector<16xi32> to vector<1x16xi32>
      tpu.vector_store %arg6[%swap3A_127, %swap3A_128], %swap3A_131 {strides = array<i32>} : memref<1x2048xi32, #tpu.memory_space<vmem>>, vector<1x16xi32>,
      %get3A_132 = arith.constant 0 : i32
      %get3A_133 = arith.index_cast %get3A_132 : i32 to index
      %get3A_134 = arith.constant 1024 : index
      %get3A_135 = tpu.vector_load %arg7[%get3A_133, %get3A_134] {strides = array<i32>} : memref<1x2048xi32, #tpu.memory_space<vmem>>, vector<1x16xi32>,
      %get3A_136 = vector.shape_cast %get3A_135 : vector<1x16xi32> to vector<16xi32>
      %select_n3A_137 = arith.select %eq3A_74, %broadcast_in_dim3A_20, %get3A_136 : vector<16xi1>, vector<16xi32>
      %swap3A_138 = arith.constant 0 : i32
      %swap3A_139 = arith.index_cast %swap3A_138 : i32 to index
      %swap3A_140 = arith.constant 1024 : index
      %swap3A_141 = tpu.vector_load %arg7[%swap3A_139, %swap3A_140] {strides = array<i32>} : memref<1x2048xi32, #tpu.memory_space<vmem>>, vector<1x16xi32>,
      %swap3A_142 = vector.shape_cast %swap3A_141 : vector<1x16xi32> to vector<16xi32>
      %swap3A_143 = vector.shape_cast %select_n3A_137 : vector<16xi32> to vector<1x16xi32>
      tpu.vector_store %arg7[%swap3A_139, %swap3A_140], %swap3A_143 {strides = array<i32>} : memref<1x2048xi32, #tpu.memory_space<vmem>>, vector<1x16xi32>,
      %get3A_144 = arith.constant 0 : i32
      %get3A_145 = arith.index_cast %get3A_144 : i32 to index
      %get3A_146 = arith.constant 1536 : index
      %get3A_147 = tpu.vector_load %arg6[%get3A_145, %get3A_146] {strides = array<i32>} : memref<1x2048xi32, #tpu.memory_space<vmem>>, vector<1x16xi32>,
      %get3A_148 = vector.shape_cast %get3A_147 : vector<1x16xi32> to vector<16xi32>
      %select_n3A_149 = arith.select %eq3A_74, %broadcast_in_dim3A_20, %get3A_148 : vector<16xi1>, vector<16xi32>
      %swap3A_150 = arith.constant 0 : i32
      %swap3A_151 = arith.index_cast %swap3A_150 : i32 to index
      %swap3A_152 = arith.constant 1536 : index
      %swap3A_153 = tpu.vector_load %arg6[%swap3A_151, %swap3A_152] {strides = array<i32>} : memref<1x2048xi32, #tpu.memory_space<vmem>>, vector<1x16xi32>,
      %swap3A_154 = vector.shape_cast %swap3A_153 : vector<1x16xi32> to vector<16xi32>
      %swap3A_155 = vector.shape_cast %select_n3A_149 : vector<16xi32> to vector<1x16xi32>
      tpu.vector_store %arg6[%swap3A_151, %swap3A_152], %swap3A_155 {strides = array<i32>} : memref<1x2048xi32, #tpu.memory_space<vmem>>, vector<1x16xi32>,
      %get3A_156 = arith.constant 0 : i32
      %get3A_157 = arith.index_cast %get3A_156 : i32 to index
      %get3A_158 = arith.constant 1536 : index
      %get3A_159 = tpu.vector_load %arg7[%get3A_157, %get3A_158] {strides = array<i32>} : memref<1x2048xi32, #tpu.memory_space<vmem>>, vector<1x16xi32>,
      %get3A_160 = vector.shape_cast %get3A_159 : vector<1x16xi32> to vector<16xi32>
      %select_n3A_161 = arith.select %eq3A_74, %broadcast_in_dim3A_20, %get3A_160 : vector<16xi1>, vector<16xi32>
      %swap3A_162 = arith.constant 0 : i32
      %swap3A_163 = arith.index_cast %swap3A_162 : i32 to index
      %swap3A_164 = arith.constant 1536 : index
      %swap3A_165 = tpu.vector_load %arg7[%swap3A_163, %swap3A_164] {strides = array<i32>} : memref<1x2048xi32, #tpu.memory_space<vmem>>, vector<1x16xi32>,
      %swap3A_166 = vector.shape_cast %swap3A_165 : vector<1x16xi32> to vector<16xi32>
      %swap3A_167 = vector.shape_cast %select_n3A_161 : vector<16xi32> to vector<1x16xi32>
      tpu.vector_store %arg7[%swap3A_163, %swap3A_164], %swap3A_167 {strides = array<i32>} : memref<1x2048xi32, #tpu.memory_space<vmem>>, vector<1x16xi32>,
    } else {
    }
    %eq3A_45 = arith.constant 15 : i32
    %eq3A_46 = arith.cmpi eq, %arg1, %eq3A_45 : i32
    %convert_element_type3A_47 = arith.extui %eq3A_46 : i1 to i32
    %cond3A_48 = arith.constant 0 : i32
    %cond3A_49 = arith.cmpi ne, %convert_element_type3A_47, %cond3A_48 : i32
    scf.if %cond3A_49 {
      %eq3A_72 = arith.constant 13 : i32
      %eq3A_73 = vector.broadcast %eq3A_72 : i32 to vector<16xi32>
      %eq3A_74 = arith.cmpi eq, %iota3A, %eq3A_73 : vector<16xi32>
      %get3A = arith.constant 0 : i32
      %get3A_75 = arith.index_cast %get3A : i32 to index
      %get3A_76 = arith.constant 496 : index
      %get3A_77 = tpu.vector_load %arg6[%get3A_75, %get3A_76] {strides = array<i32>} : memref<1x2048xi32, #tpu.memory_space<vmem>>, vector<1x16xi32>,
      %get3A_78 = vector.shape_cast %get3A_77 : vector<1x16xi32> to vector<16xi32>
      %select_n3A = arith.select %eq3A_74, %broadcast_in_dim3A_20, %get3A_78 : vector<16xi1>, vector<16xi32>
      %swap3A = arith.constant 0 : i32
      %swap3A_79 = arith.index_cast %swap3A : i32 to index
      %swap3A_80 = arith.constant 496 : index
      %swap3A_81 = tpu.vector_load %arg6[%swap3A_79, %swap3A_80] {strides = array<i32>} : memref<1x2048xi32, #tpu.memory_space<vmem>>, vector<1x16xi32>,
      %swap3A_82 = vector.shape_cast %swap3A_81 : vector<1x16xi32> to vector<16xi32>
      %swap3A_83 = vector.shape_cast %select_n3A : vector<16xi32> to vector<1x16xi32>
      tpu.vector_store %arg6[%swap3A_79, %swap3A_80], %swap3A_83 {strides = array<i32>} : memref<1x2048xi32, #tpu.memory_space<vmem>>, vector<1x16xi32>,
      %get3A_84 = arith.constant 0 : i32
      %get3A_85 = arith.index_cast %get3A_84 : i32 to index
      %get3A_86 = arith.constant 1008 : index
      %get3A_87 = tpu.vector_load %arg6[%get3A_85, %get3A_86] {strides = array<i32>} : memref<1x2048xi32, #tpu.memory_space<vmem>>, vector<1x16xi32>,
      %get3A_88 = vector.shape_cast %get3A_87 : vector<1x16xi32> to vector<16xi32>
      %select_n3A_89 = arith.select %eq3A_74, %broadcast_in_dim3A_20, %get3A_88 : vector<16xi1>, vector<16xi32>
      %swap3A_90 = arith.constant 0 : i32
      %swap3A_91 = arith.index_cast %swap3A_90 : i32 to index
      %swap3A_92 = arith.constant 1008 : index
      %swap3A_93 = tpu.vector_load %arg6[%swap3A_91, %swap3A_92] {strides = array<i32>} : memref<1x2048xi32, #tpu.memory_space<vmem>>, vector<1x16xi32>,
      %swap3A_94 = vector.shape_cast %swap3A_93 : vector<1x16xi32> to vector<16xi32>
      %swap3A_95 = vector.shape_cast %select_n3A_89 : vector<16xi32> to vector<1x16xi32>
      tpu.vector_store %arg6[%swap3A_91, %swap3A_92], %swap3A_95 {strides = array<i32>} : memref<1x2048xi32, #tpu.memory_space<vmem>>, vector<1x16xi32>,
      %get3A_96 = arith.constant 0 : i32
      %get3A_97 = arith.index_cast %get3A_96 : i32 to index
      %get3A_98 = arith.constant 1520 : index
      %get3A_99 = tpu.vector_load %arg6[%get3A_97, %get3A_98] {strides = array<i32>} : memref<1x2048xi32, #tpu.memory_space<vmem>>, vector<1x16xi32>,
      %get3A_100 = vector.shape_cast %get3A_99 : vector<1x16xi32> to vector<16xi32>
      %select_n3A_101 = arith.select %eq3A_74, %broadcast_in_dim3A_20, %get3A_100 : vector<16xi1>, vector<16xi32>
      %swap3A_102 = arith.constant 0 : i32
      %swap3A_103 = arith.index_cast %swap3A_102 : i32 to index
      %swap3A_104 = arith.constant 1520 : index
      %swap3A_105 = tpu.vector_load %arg6[%swap3A_103, %swap3A_104] {strides = array<i32>} : memref<1x2048xi32, #tpu.memory_space<vmem>>, vector<1x16xi32>,
      %swap3A_106 = vector.shape_cast %swap3A_105 : vector<1x16xi32> to vector<16xi32>
      %swap3A_107 = vector.shape_cast %select_n3A_101 : vector<16xi32> to vector<1x16xi32>
      tpu.vector_store %arg6[%swap3A_103, %swap3A_104], %swap3A_107 {strides = array<i32>} : memref<1x2048xi32, #tpu.memory_space<vmem>>, vector<1x16xi32>,
      %get3A_108 = arith.constant 0 : i32
      %get3A_109 = arith.index_cast %get3A_108 : i32 to index
      %get3A_110 = arith.constant 2032 : index
      %get3A_111 = tpu.vector_load %arg6[%get3A_109, %get3A_110] {strides = array<i32>} : memref<1x2048xi32, #tpu.memory_space<vmem>>, vector<1x16xi32>,
      %get3A_112 = vector.shape_cast %get3A_111 : vector<1x16xi32> to vector<16xi32>
      %select_n3A_113 = arith.select %eq3A_74, %broadcast_in_dim3A_20, %get3A_112 : vector<16xi1>, vector<16xi32>
      %swap3A_114 = arith.constant 0 : i32
      %swap3A_115 = arith.index_cast %swap3A_114 : i32 to index
      %swap3A_116 = arith.constant 2032 : index
      %swap3A_117 = tpu.vector_load %arg6[%swap3A_115, %swap3A_116] {strides = array<i32>} : memref<1x2048xi32, #tpu.memory_space<vmem>>, vector<1x16xi32>,
      %swap3A_118 = vector.shape_cast %swap3A_117 : vector<1x16xi32> to vector<16xi32>
      %swap3A_119 = vector.shape_cast %select_n3A_113 : vector<16xi32> to vector<1x16xi32>
      tpu.vector_store %arg6[%swap3A_115, %swap3A_116], %swap3A_119 {strides = array<i32>} : memref<1x2048xi32, #tpu.memory_space<vmem>>, vector<1x16xi32>,
    } else {
    }
    %dma_start3A = tpu.memref_reshape %arg6 : memref<1x2048xi32, #tpu.memory_space<vmem>> -> memref<4x512xi32, #tpu.memory_space<vmem>>
    %dma_start3A_50 = arith.constant 0 : i32
    %dma_start3A_51 = tpu.memref_slice %arg3[%dma_start3A_50, %multiple_of3A] : memref<4x8190xi32, #tpu.memory_space<hbm>> -> memref<4x512xi32, #tpu.memory_space<hbm>>
    %dma_start3A_52 = arith.constant 0 : i32
    %dma_start3A_53 = tpu.memref_slice %arg3[%dma_start3A_52, %multiple_of3A] : memref<4x8190xi32, #tpu.memory_space<hbm>> -> memref<4x512xi32, #tpu.memory_space<hbm>>
    %dma_start3A_54 = tpu.memref_reshape %arg6 : memref<1x2048xi32, #tpu.memory_space<vmem>> -> memref<4x512xi32, #tpu.memory_space<vmem>>
    tpu.enqueue_dma source(%dma_start3A_54 : memref<4x512xi32, #tpu.memory_space<vmem>>) target(%dma_start3A_53 : memref<4x512xi32, #tpu.memory_space<hbm>>) target_semaphore(%arg8 : memref<!tpu.dma_semaphore, #tpu.memory_space<semaphore_mem>>)
    %dma_start3A_55 = tpu.memref_reshape %arg7 : memref<1x2048xi32, #tpu.memory_space<vmem>> -> memref<4x512xi32, #tpu.memory_space<vmem>>
    %dma_start3A_56 = arith.constant 0 : i32
    %dma_start3A_57 = tpu.memref_slice %arg4[%dma_start3A_56, %multiple_of3A] : memref<4x8190xi32, #tpu.memory_space<hbm>> -> memref<4x512xi32, #tpu.memory_space<hbm>>
    %dma_start3A_58 = arith.constant 0 : i32
    %dma_start3A_59 = tpu.memref_slice %arg4[%dma_start3A_58, %multiple_of3A] : memref<4x8190xi32, #tpu.memory_space<hbm>> -> memref<4x512xi32, #tpu.memory_space<hbm>>
    %dma_start3A_60 = tpu.memref_reshape %arg7 : memref<1x2048xi32, #tpu.memory_space<vmem>> -> memref<4x512xi32, #tpu.memory_space<vmem>>
    tpu.enqueue_dma source(%dma_start3A_60 : memref<4x512xi32, #tpu.memory_space<vmem>>) target(%dma_start3A_59 : memref<4x512xi32, #tpu.memory_space<hbm>>) target_semaphore(%arg9 : memref<!tpu.dma_semaphore, #tpu.memory_space<semaphore_mem>>)
    %dma_wait3A = tpu.memref_reshape %arg6 : memref<1x2048xi32, #tpu.memory_space<vmem>> -> memref<4x512xi32, #tpu.memory_space<vmem>>
    %dma_wait3A_61 = arith.constant 0 : i32
    %dma_wait3A_62 = tpu.memref_slice %arg3[%dma_wait3A_61, %multiple_of3A] : memref<4x8190xi32, #tpu.memory_space<hbm>> -> memref<4x512xi32, #tpu.memory_space<hbm>>
    %dma_wait3A_63 = arith.constant 0 : i32
    %dma_wait3A_64 = tpu.memref_slice %arg3[%dma_wait3A_63, %multiple_of3A] : memref<4x8190xi32, #tpu.memory_space<hbm>> -> memref<4x512xi32, #tpu.memory_space<hbm>>
    %dma_wait3A_65 = tpu.memref_reshape %arg6 : memref<1x2048xi32, #tpu.memory_space<vmem>> -> memref<4x512xi32, #tpu.memory_space<vmem>>
    tpu.wait_dma2 semaphore(%arg8 : memref<!tpu.dma_semaphore, #tpu.memory_space<semaphore_mem>>) src(%dma_wait3A_65 : memref<4x512xi32, #tpu.memory_space<vmem>>) dst(%dma_wait3A_64 : memref<4x512xi32, #tpu.memory_space<hbm>>)
    %dma_wait3A_66 = tpu.memref_reshape %arg7 : memref<1x2048xi32, #tpu.memory_space<vmem>> -> memref<4x512xi32, #tpu.memory_space<vmem>>
    %dma_wait3A_67 = arith.constant 0 : i32
    %dma_wait3A_68 = tpu.memref_slice %arg4[%dma_wait3A_67, %multiple_of3A] : memref<4x8190xi32, #tpu.memory_space<hbm>> -> memref<4x512xi32, #tpu.memory_space<hbm>>
    %dma_wait3A_69 = arith.constant 0 : i32
    %dma_wait3A_70 = tpu.memref_slice %arg4[%dma_wait3A_69, %multiple_of3A] : memref<4x8190xi32, #tpu.memory_space<hbm>> -> memref<4x512xi32, #tpu.memory_space<hbm>>
    %dma_wait3A_71 = tpu.memref_reshape %arg7 : memref<1x2048xi32, #tpu.memory_space<vmem>> -> memref<4x512xi32, #tpu.memory_space<vmem>>
    tpu.wait_dma2 semaphore(%arg9 : memref<!tpu.dma_semaphore, #tpu.memory_space<semaphore_mem>>) src(%dma_wait3A_71 : memref<4x512xi32, #tpu.memory_space<vmem>>) dst(%dma_wait3A_70 : memref<4x512xi32, #tpu.memory_space<hbm>>)
    return
  }
}

</mosaic_0001>

<sc_bundles>
// kernel: kernel.3.cloned.1.call-start
scs
__scs_entry_jumppad:
0x0: {  	(pc) =	sbr.rel $0x88, $3  }
0x1: {  	(tag) =	ssettag $0x0;
	lr =	simm.s32 $0x1  }
0x2: {  	[smem:$0x3FA0] =	sst lr;
	_ =	strace $0xD0000000  }
0x3: {  	_ = 	snop  }
0x4: {  	_ = 	snop  }
0x5: {  	_ = 	snop  }
0x6: {  	_ = 	snop  }
0x7: {  	_ = 	snop  }
__scs_overlays_trampoline_lowered:
0x8: {  	[smem:$0x3FAF] =	sst s0  }
0x9: {  	[smem:$0x3FB0] =	sst s1  }
0xa: {  	[smem:$0x3FB1] =	sst s2  }
0xb: {  	[smem:$0x3FB2] =	sst s3  }
0xc: {  	[smem:$0x3FB3] =	sst s4  }
0xd: {  	[smem:$0x3FB4] =	sst s5  }
0xe: {  	[smem:$0x3FB5] =	sst s6  }
0xf: {  	[smem:$0x3FB6] =	sst s7  }
0x10: {  	[smem:$0x3FB7] =	sst s8  }
0x11: {  	[smem:$0x3FB8] =	sst s9;
	s0 =	simm.s32 @!p0 $0x0  }
0x12: {  	s1 =	sld [smem:$0x3F9E];
	s0 =	simm.s32 @p0 $0x1  }
0x13: {  	[smem:$0x3FB9] =	sst s0;
	s0 =	simm.s32 @!p1 $0x0  }
0x14: {  	s2 =	sld [smem:$0x3F9D];
	s0 =	simm.s32 @p1 $0x1  }
0x15: {  	[smem:$0x3FBA] =	sst s0;
	s0 =	simm.s32 @!p2 $0x0  }
0x16: {  	s3 =	sld [smem:$0x3FDB];
	s0 =	simm.s32 @p2 $0x1  }
0x17: {  	s4 =	simm.s32 $0x1BF5;
	[smem:$0x3FBC] =	sst s0  }
0x18: {  	s0 =	sld [smem:$0x3F9F];
	_ =	swait.ge [sflag:s4], $0x0  }
0x19: {  	s7 =	sld [smem:$0x3FA0]  }
0x1a: {  	s8 =	sadd.s32 $0xFFFFE003, lr  }
0x1b: {  	s9 =	sadd.s32 $0xFFFFFEF7, lr;
	s5 =	simm.s32 $0xFFFFFFFF;
	p2 =	slt.u32 s8, $0xFFFFF086  }
0x1c: {  	p1 =	slt.u32 s9, $0xF7A;
	s5 =	simm.s32 @!p2 $0x0  }
0x1d: {  	s5 =	simm.s32 @p1 $0x1;
	p0 =	seq.s32 s7, s2  }
0x1e: {  	s7 =	smul.u32 @!p0 $0xF7A, s2;
	p2 =	seq.s32 @!p0 s5, $0x0  }
0x1f: {  	s9 =	smul.u32 $0xF7A, s1;
	s8 =	simm.s32 @!p0 $0x1BF5;
	p2 =	por !p2, p0  }
0x20: {  	[sflag:s8] =	ssyncset.s32 @!p0 $0xFFFFF086;
	s6 =	sadd.s32 @!p0 s3, s7;
	s7 =	simm.s32 @!p0 $0x108  }
0x21: {  	s3 =	sadd.s32 s3, s9;
	s6 =	sadd.s32 @!p0 $0x88, s6;
	s7 =	simm.s32 @p2 $0x1082  }
0x22: {  	[simem:s7], [sflag:s8] =	dma.local @!p0 [hbm:s6], $0xF7A  }
0x23: {  	s9 =	sor.u32 $0xD0000000, s2;
	s6 =	simm.s32 $0x108;
	_ =	swait.ge @!p0 [sflag:s8], $0x0  }
0x24: {  	s3 =	sadd.s32 $0x88, s3;
	s6 =	simm.s32 @!p1 $0x1082;
	[sflag:s4] =	ssyncset.s32 $0xFFFFF086  }
0x25: {  	[simem:s6], [sflag:s4] =	dma.local [hbm:s3], $0xF7A  }
0x26: {  	[smem:$0x3FA0] =	sst s1;
	(tag) =	ssettag s2;
	_ =	strace s9  }
0x27: {  	s1 =	sld [smem:$0x3FB0]  }
0x28: {  	s2 =	sld [smem:$0x3FB1]  }
0x29: {  	s4 =	sld [smem:$0x3FB3]  }
0x2a: {  	p0 =	seq.s32 s5, $0x0;
	s5 =	sld [smem:$0x3FB4]  }
0x2b: {  	s6 =	sld [smem:$0x3FB5]  }
0x2c: {  	s7 =	sld [smem:$0x3FB6]  }
0x2d: {  	s3 =	simm.s32 $0x108;
	s8 =	sld [smem:$0x3FB7]  }
0x2e: {  	s3 =	simm.s32 @!p0 $0x1082;
	s9 =	sld [smem:$0x3FB8]  }
0x2f: {  	lr =	sadd.s32 s0, s3;
	s0 =	sld [smem:$0x3FAF]  }
0x30: {  	s3 =	sld [smem:$0x3FB2]  }
0x31: {  	[smem:$0x3FBB] =	sst s10  }
0x32: {  	s10 =	sld [smem:$0x3FB9];
	_ =	sdelay $0x3  }
0x33: {  	p0 =	seq.s32 s10, $0x1;
	s10 =	sld [smem:$0x3FBB];
	_ =	sdelay $0x3  }
0x34: {  	[smem:$0x3FBB] =	sst s10  }
0x35: {  	s10 =	sld [smem:$0x3FBA];
	_ =	sdelay $0x3  }
0x36: {  	p1 =	seq.s32 s10, $0x1;
	s10 =	sld [smem:$0x3FBB];
	_ =	sdelay $0x3  }
0x37: {  	[smem:$0x3FBB] =	sst s10  }
0x38: {  	s10 =	sld [smem:$0x3FBC]  }
0x39: {  	_ = 	snop;
	(pc) =	sbr.ind lr, $3  }
0x3a: {  	_ = 	snop  }
0x3b: {  	_ = 	snop  }
0x3c: {  	p2 =	seq.s32 s10, $0x1;
	s10 =	sld [smem:$0x3FBB]  }
0x3d: {  	_ =	shalt  }
0x3e: {  	_ =	shalt  }
0x3f: {  	_ =	shalt  }
0x40: {  	_ =	shalt  }
0x41: {  	_ =	shalt  }
0x42: {  	_ =	shalt  }
0x43: {  	_ =	shalt  }
0x44: {  	_ =	shalt  }
0x45: {  	_ =	shalt  }
0x46: {  	_ =	shalt  }
0x47: {  	_ =	shalt  }
0x48: {  	_ =	shalt  }
0x49: {  	_ =	shalt  }
0x4a: {  	_ =	shalt  }
0x4b: {  	_ =	shalt  }
0x4c: {  	_ =	shalt  }
0x4d: {  	_ =	shalt  }
0x4e: {  	_ =	shalt  }
0x4f: {  	_ =	shalt  }
0x50: {  	_ =	shalt  }
0x51: {  	_ =	shalt  }
0x52: {  	_ =	shalt  }
0x53: {  	_ =	shalt  }
0x54: {  	_ =	shalt  }
0x55: {  	_ =	shalt  }
0x56: {  	_ =	shalt  }
0x57: {  	_ =	shalt  }
0x58: {  	_ =	shalt  }
0x59: {  	_ =	shalt  }
0x5a: {  	_ =	shalt  }
0x5b: {  	_ =	shalt  }
0x5c: {  	_ =	shalt  }
0x5d: {  	_ =	shalt  }
0x5e: {  	_ =	shalt  }
0x5f: {  	_ =	shalt  }
0x60: {  	_ =	shalt  }
0x61: {  	_ =	shalt  }
0x62: {  	_ =	shalt  }
0x63: {  	_ =	shalt  }
0x64: {  	_ =	shalt  }
0x65: {  	_ =	shalt  }
0x66: {  	_ =	shalt  }
0x67: {  	_ =	shalt  }
0x68: {  	_ =	shalt  }
0x69: {  	_ =	shalt  }
0x6a: {  	_ =	shalt  }
0x6b: {  	_ =	shalt  }
0x6c: {  	_ =	shalt  }
0x6d: {  	_ =	shalt  }
0x6e: {  	_ =	shalt  }
0x6f: {  	_ =	shalt  }
0x70: {  	_ =	shalt  }
0x71: {  	_ =	shalt  }
0x72: {  	_ =	shalt  }
0x73: {  	_ =	shalt  }
0x74: {  	_ =	shalt  }
0x75: {  	_ =	shalt  }
0x76: {  	_ =	shalt  }
0x77: {  	_ =	shalt  }
0x78: {  	_ =	shalt  }
0x79: {  	_ =	shalt  }
0x7a: {  	_ =	shalt  }
0x7b: {  	_ =	shalt  }
0x7c: {  	_ =	shalt  }
0x7d: {  	_ =	shalt  }
0x7e: {  	_ =	shalt  }
0x7f: {  	_ =	shalt  }
0x80: {  	_ =	shalt  }
0x81: {  	_ =	shalt  }
0x82: {  	_ =	shalt  }
0x83: {  	_ =	shalt  }
0x84: {  	_ =	shalt  }
0x85: {  	_ =	shalt  }
0x86: {  	_ =	shalt  }
0x87: {  	_ =	shalt  }
.Lfunc_end0:
.L_simem_size_0:
called_computation_lowered:
.L_overlay_start_0:
0x88: {  	s0 =	sld [smem:$0x3FD9]  }
0x89: {  	s1 =	sld [smem:$0x3FFE];
	_ =	sdelay $0x3  }
0x8a: {  	s0 =	sadd.s32 s1, s0  }
0x8b: {  	[smem:$0x3FC7] =	sst s0  }
0x8c: {  	_ = 	snop  }
0x8d: {  	s0 =	sld [smem:$0x3FD0];
	_ =	sdelay $0x2  }
0x8e: {  	s2 =	simm.s32 $0xA;
	s3 =	simm.s32 $0x10;
	s14 =	sld [smem:$0x3FC9]  }
0x8f: {  	[smem:s3], [sflag:s2] =	dma.local [hbm:s0], $0x1  }
0x90: {  	_ =	swait.eq [sflag:s2], $0x1  }
0x91: {  	[sflag:s2] =	ssyncset.done $0x0  }
0x92: {  	s15 =	sld [smem:$0x10];
	[sflag:s2] =	ssyncadd.s32 $0xFFFFFFFF  }
0x93: {  	s16 =	sld [smem:$0x11];
	(tm) =	ssettm $0x1  }
0x94: {  	s17 =	sld [smem:$0x3FFB];
	_ =	sdelay $0x3  }
0x95: {  	_ =	strace s17  }
0x96: {  	s3 =	sld [smem:$0x3FFC];
	_ =	sdelay $0x3  }
0x97: {  	_ =	strace s3  }
0x98: {  	s3 =	sld [smem:$0x3FFD];
	_ =	sdelay $0x3  }
0x99: {  	_ =	strace s3  }
0x9a: {  	_ =	strace $0x8FFFFFFF  }
0x9b: {  	s18 =	sld [smem:$0x3FDB];
	_ =	sdelay $0x1  }
0x9c: {  	s4 =	simm.s32 $_scs_section_size  }
0x9d: {  	s5 =	simm.s32 $_size__tile_overlayer_lowered;
	s6 =	simm.s32 $_tile_overlayer_lowered  }
0x9e: {  	s21 =	simm.s32 $0x1BFF;
	s20 =	sshll.u32 s6, $0x1;
	s3 =	sadd.s32 s4, s18  }
0x9f: {  	s7 =	simm.s32 $0x0;
	s19 =	sshll.u32 s5, $0x1;
	s5 =	sadd.s32 s20, s3  }
0xa0: {  	[timem:s7], [sflag:s21] =	dma.local [hbm:s5], s19  }
0xa1: {  	_ =	swait.ge [sflag:s21], s19  }
0xa2: {  	s4 =	ssub.s32 $0x0, s19;
	[sflag:s21] =	ssyncset.done $0x0  }
0xa3: {  	[sflag:s21] =	ssyncadd.s32 s4;
	_ =	sdelay $0x1  }
0xa4: {  	s22 =	simm.s32 $0x1B8B  }
0xa5: {  	_ =	swait.ge [sflag:s22], $0x1  }
0xa6: {  	[sflag:s22] =	ssyncset.done $0x0  }
0xa7: {  	s23 =	simm.s32 $0x1B8E;
	[sflag:s22] =	ssyncadd.s32 $0xFFFFFFFF  }
0xa8: {  	s24 =	simm.s32 $execute0_lowered;
	[smem:$0x3FD2] =	sst s23  }
0xa9: {  	s4 =	sshll.u32 s24, $0x1;
	_ =	strace $0x80000046;
	[dreg:$0x1] =	wrdreg $0xFFFFFFFF  }
0xaa: {  	s25 =	simm.s32 $_size_execute0_lowered;
	s3 =	sadd.s32 s3, s4;
	[dreg:$0x0] =	wrdreg $0x0  }
0xab: {  	s4 =	sshll.u32 s25, $0x1;
	[dreg:$0x2] =	wrdreg s3  }
0xac: {  	[dreg:$0x3] =	wrdreg s4  }
0xad: {  	[dreg:$0x4] =	wrdreg $0xC0  }
0xae: {  	_ =	task [dreg:s7], $0x5FFFF  }
0xaf: {  	[dreg:$0x1] =	wrdreg $0xFFFFFFFF  }
0xb0: {  	[dreg:$0x0] =	wrdreg $0x60  }
0xb1: {  	[dreg:$0x2] =	wrdreg s14  }
0xb2: {  	[dreg:$0x3] =	wrdreg s15  }
0xb3: {  	[dreg:$0x4] =	wrdreg s16  }
0xb4: {  	[dreg:$0x5] =	wrdreg $0x9  }
0xb5: {  	_ =	task.clear_ibuf [dreg:s7], $0x6FFFF;
	_ =	strace $0x90000046  }
0xb6: {  	s26 =	simm.s32 $0x9;
	_ =	strace $0x80000048  }
0xb7: {  	_ =	swait.ge [sflag:s26], $0x1  }
0xb8: {  	[sflag:s26] =	ssyncadd.s32 $0xFFFFFFFF  }
0xb9: {  	_ =	strace $0x90000048  }
0xba: {  	_ =	sfence  }
0xbb: {  	s28 =	sld [smem:$0x0];
	_ =	sdelay $0x1  }
0xbc: {  	s29 =	srdreg.scid  }
0xbd: {  	s30 =	sshll.u32 s29, $0xD;
	s31 =	sshrl.u32 s29, $0x2  }
0xbe: {  	s1 =	sand.u32 $0x1, s29;
	s2 =	sand.u32 $0x4000, s30;
	s0 =	sadd.s32 s31, s28  }
0xbf: {  	s1 =	sor.u32 s2, s1;
	s0 =	sshll.u32 s0, $0x11  }
0xc0: {  	s0 =	sor.u32 s0, s1  }
0xc1: {  	s0 =	sadd.s32 $0x8F2B, s0  }
0xc2: {  	[sflag:s0] =	ssyncadd.remote.s32 $0x1  }
0xc3: {  	_ =	sfence.sel $0xFFFF  }
0xc4: {  	[dreg:$0x0] =	wrdreg $0xFFFFFFFF;
	(pc) =	sbr.abs _section_cstart, $3  }
0xc5: {  	[dreg:$0x1] =	wrdreg $0xFFFFFFFF  }
0xc6: {  	_ =	task.clear_ibuf [dreg:s7], $0x2FFFF;
	_ =	strace $0x9FFFFFFF  }
0xc7: {  	(tm) =	ssettm $0x7FFFFFFF  }
tec
execute0_lowered:
.L_overlay_start_1:
0x0: {  	(tag) =	ssettag $0x1  }
0x1: {  	s4 =	rddreg [dreg:$0x0];
	s0 =	stileid.u32  }
0x2: {  	s3 =	rddreg [dreg:$0x1];
	s5 =	sshll.u32 s0, $0x9  }
0x3: {  	s2 =	rddreg [dreg:$0x2];
	s7 =	smax.u32 s5, $0x80  }
0x4: {  	s1 =	rddreg [dreg:$0x3];
	s6 =	simm.s32 $0x0;
	s24 =	sadd.s32 $0xFFFFFF80, s7  }
0x5: {  	s25 =	simm.s32 $0x200;
	[smem:$0x7FF] =	sst s6;
	s7 =	sshrl.u32 s24, $0x1  }
0x6: {  	s8 =	simm.s32 $0x80;
	_ =	strace $0x80000047;
	s4 =	sadd.s32 s4, s7  }
0x7: {  	[tilespmem:s8], [sflag:$0x3] =	stream.strided.gather [hbm4b:s4+s8], $0x280, s25, s8, $0x38;
	[tilespmem:$0x1A80] =	vst v63  }
0x8: {  	s10 =	simm.s32 $0x300;
	s9 =	sadd.s32 $0x10, s4  }
0x9: {  	[tilespmem:s10], [sflag:$0x3] =	stream.strided.gather [hbm4b:s9+s8], $0x280, s25, s8, $0x38;
	[tilespmem:$0x1A80] =	vst v63  }
0xa: {  	s28 =	simm.s32 $0x580;
	s26 =	sadd.s32 $0x20, s4  }
0xb: {  	[tilespmem:s28], [sflag:$0x3] =	stream.strided.gather [hbm4b:s26+s8], $0x280, s25, s8, $0x38;
	[tilespmem:$0x1A80] =	vst v63  }
0xc: {  	s29 =	simm.s32 $0x800;
	s30 =	simm.s32 $0x3;
	s4 =	sadd.s32 $0x30, s4  }
0xd: {  	[tilespmem:s29], [sflag:$0x3] =	stream.strided.gather [hbm4b:s4+s8], $0x280, s25, s8, $0x38;
	[tilespmem:$0x1A80] =	vst v63  }
0xe: {  	_ =	swait.ge [sflag:s30], $0xA00  }
0xf: {  	s4 =	ssub.s32 s5, s24;
	[sflag:s30] =	ssyncset.done $0x0  }
0x10: {  	s31 =	sadd.s32 $0xB0, s4;
	[sflag:s30] =	ssyncadd.s32 $0xFFFFF600  }
0x11: {  	v1 =	vld [tilespmem:s31+$0xFFFFFFFE]  }
0x12: {  	v2 =	vld [tilespmem:s31+$0xFFFFFFFD]  }
0x13: {  	v3 =	vld [tilespmem:s31+$0xFFFFFFFF]  }
0x14: {  	v4 =	vld [tilespmem:s31+$0x0]  }
0x15: {  	vm0 =	vcmask $0x1710;
	vm1 =	vcmask $0x700;
	vm2 =	vcmask $0x170C;
	v5 =	vld [tilespmem:s31+$0xFFFFFFCE]  }
0x16: {  	vm3 =	vcmask $0x73C;
	vm0 =	vmor vm1, vm0;
	vm1 =	vcmask $0x2720;
	v6 =	vld [tilespmem:s31+$0xFFFFFFCD]  }
0x17: {  	vm4 =	vcmask $0x372C;
	v0 =	vimm.s32 $0x3020104;
	vm0 =	vmor vm0, vm1;
	v7 =	vld [tilespmem:s31+$0xFFFFFFDE]  }
0x18: {  	vm1 =	vmor vm3, vm2;
	vm2 =	vcmask $0x271C;
	vm3 =	vcmask $0x3730;
	v8 =	vld [tilespmem:s31+$0xFFFFFFDD]  }
0x19: {  	v0 =	vunpack.c.0.s8.s32 v0;
	vm1 =	vmor vm1, vm2;
	vm2 =	vmor vm0, vm3;
	v9 =	vld [tilespmem:s31+$0xFFFFFFEE]  }
0x1a: {  	vm3 =	vcmask $0x704;
	vm0 =	vmor vm1, vm4;
	vm1 =	vcmask $0x1714;
	v10 =	vld [tilespmem:s31+$0xFFFFFFED]  }
0x1b: {  	vm1 =	vmor vm3, vm1;
	vm3 =	vcmask $0x2724;
	v11 =	vld [tilespmem:s31+$0xFFFFFFCF];
	v1 =	vsel vm2, v2, v1  }
0x1c: {  	vm1 =	vmor vm1, vm3;
	vm3 =	vcmask $0x3734;
	v2 =	vsel vm0, v1, v3;
	v3 =	vld [tilespmem:s31+$0xFFFFFFDF]  }
0x1d: {  	vm1 =	vmor vm1, vm3;
	vm3 =	vlt.u32 v4, $0x2;
	v1 =	vld [tilespmem:s31+$0xFFFFFFEF];
	vm15 =	veq.s32 v2, $0x1  }
0x1e: {  	s5 =	simm.s32 $0xAA0;
	v4 =	vld [tilespmem:s31+$0xFFFFFFE0];
	v12 =	vsel vm3, $0x0, v0;
	vm3 =	vmor vm15, vm1  }
0x1f: {  	s6 =	simm.s32 $0x12A0;
	s7 =	simm.s32 $0xAA0;
	v6 =	vsel vm2, v6, v5;
	[tilespmem:s5+$0x10] =	vst v12;
	v5 =	vsel vm3, $0x0, v2;
	v2 =	vld [tilespmem:s31+$0xFFFFFFF0]  }
0x20: {  	s9 =	simm.s32 $0x0;
	s8 =	simm.s32 $0x12A0;
	s10 =	sadd.s32 $0x40, s31;
	v8 =	vsel vm2, v8, v7;
	v7 =	vsel vm2, v10, v9;
	v6 =	vsel vm0, v6, v11;
	[tilespmem:s6+$0x10] =	vst v5;
	v5 =	vld [tilespmem:s31+$0xFFFFFFD0]  }
.LBB2_1:
0x21: {  	v9 =	vld [tilespmem:s10+$0xFFFFFFFE];
	vm3 =	veq.s32 v6, $0x1;
	v3 =	vsel vm0, v8, v3  }
0x22: {  	s9 =	sadd.s32 $0x4, s9;
	v8 =	vld [tilespmem:s10+$0xFFFFFFFD];
	vm3 =	vmor vm3, vm1;
	vm4 =	veq.s32 v3, $0x1;
	v1 =	vsel vm0, v7, v1  }
0x23: {  	p0 =	slt.u32 s9, $0x1C;
	v7 =	vld [tilespmem:s10+$0xFFFFFFFF];
	vm5 =	vlt.u32 v4, $0x2;
	vm4 =	vmor vm4, vm1;
	vm6 =	veq.s32 v1, $0x1  }
0x24: {  	v6 =	vsel vm3, $0x0, v6;
	v4 =	vld [tilespmem:s10+$0x0];
	vm3 =	vlt.u32 v2, $0x2;
	vm6 =	vmor vm6, vm1  }
0x25: {  	v3 =	vsel vm4, $0x0, v3;
	v2 =	vld [tilespmem:s10+$0xFFFFFFCE];
	vm7 =	vlt.u32 v5, $0x2;
	v5 =	vsel vm6, $0x0, v1  }
0x26: {  	v11 =	vsel vm5, $0x0, v0;
	v12 =	vsel vm3, $0x0, v0;
	v1 =	vld [tilespmem:s10+$0xFFFFFFCD];
	v10 =	vsel vm7, $0x0, v0  }
0x27: {  	v13 =	vld [tilespmem:s10+$0xFFFFFFDE];
	v8 =	vsel vm2, v8, v9;
	[tilespmem:s5+$0xFFFFFFE0] =	vst v10  }
0x28: {  	v9 =	vld [tilespmem:s10+$0xFFFFFFDD];
	v7 =	vsel vm0, v8, v7;
	[tilespmem:s6+$0xFFFFFFE0] =	vst v6  }
0x29: {  	v6 =	vld [tilespmem:s10+$0xFFFFFFEE];
	vm3 =	vlt.u32 v4, $0x2;
	vm4 =	veq.s32 v7, $0x1;
	[tilespmem:s5+$0xFFFFFFF0] =	vst v11  }
0x2a: {  	s5 =	sadd.s32 $0x40, s5;
	v10 =	vld [tilespmem:s10+$0xFFFFFFED];
	v4 =	vsel vm3, $0x0, v0;
	vm3 =	vmor vm4, vm1;
	[tilespmem:s6+$0xFFFFFFF0] =	vst v3  }
0x2b: {  	s6 =	sadd.s32 $0x40, s6;
	v11 =	vld [tilespmem:s10+$0xFFFFFFCF];
	v14 =	vsel vm2, v1, v2;
	v1 =	vsel vm3, $0x0, v7;
	[tilespmem:s5+$0x10] =	vst v4  }
.Ltmp0:
0x2c: {  	v3 =	vld [tilespmem:s10+$0xFFFFFFDF];
	[tilespmem:s6+$0x10] =	vst v1;
	(pc) =	sbr.rel @p0 .LBB2_1-.Ltmp0, $4  }
0x2d: {  	v8 =	vsel vm2, v9, v13;
	v1 =	vld [tilespmem:s10+$0xFFFFFFEF];
	[tilespmem:s7+$0x0] =	vst v12;
	s7 =	smov.u32 s5  }
0x2e: {  	v4 =	vld [tilespmem:s10+$0xFFFFFFE0];
	[tilespmem:s8+$0x0] =	vst v5;
	s8 =	smov.u32 s6  }
0x2f: {  	v2 =	vld [tilespmem:s10+$0xFFFFFFF0];
	v7 =	vsel vm2, v10, v6  }
0x30: {  	v5 =	vld [tilespmem:s10+$0xFFFFFFD0];
	v6 =	vsel vm0, v14, v11;
	s10 =	sadd.s32 $0x40, s10  }
0x31: {  	_ =	sdelay $0x3  }
0x32: {  	vm3 =	veq.s32 v6, $0x1;
	vm4 =	vlt.u32 v5, $0x2  }
0x33: {  	v3 =	vsel vm0, v8, v3;
	vm3 =	vmor vm3, vm1;
	v5 =	vsel vm4, $0x0, v0  }
0x34: {  	vm5 =	vlt.u32 v4, $0x2;
	v4 =	vsel vm3, $0x0, v6;
	vm4 =	veq.s32 v3, $0x1;
	[tilespmem:s5+$0xFFFFFFE0] =	vst v5  }
0x35: {  	v1 =	vsel vm0, v7, v1;
	vm3 =	vmor vm4, vm1;
	v5 =	vsel vm5, $0x0, v0;
	[tilespmem:s6+$0xFFFFFFE0] =	vst v4  }
0x36: {  	vm4 =	veq.s32 v1, $0x1;
	vm5 =	vlt.u32 v2, $0x2;
	v2 =	vsel vm3, $0x0, v3;
	[tilespmem:s5+$0xFFFFFFF0] =	vst v5  }
0x37: {  	vm3 =	vmor vm4, vm1;
	v0 =	vsel vm5, $0x0, v0;
	[tilespmem:s6+$0xFFFFFFF0] =	vst v2  }
0x38: {  	v1 =	vsel vm3, $0x0, v1;
	[tilespmem:s7+$0x0] =	vst v0  }
0x39: {  	s31 =	sadd.s32 $0x330, s4;
	[tilespmem:s8+$0x0] =	vst v1  }
0x3a: {  	v0 =	vld [tilespmem:s31+$0xFFFFFFFE]  }
0x3b: {  	v2 =	vld [tilespmem:s31+$0x0]  }
0x3c: {  	v1 =	vld [tilespmem:s31+$0xFFFFFFFF]  }
0x3d: {  	v3 =	vld [tilespmem:s31+$0xFFFFFFCF]  }
0x3e: {  	v4 =	vld [tilespmem:s31+$0xFFFFFFFD]  }
0x3f: {  	v5 =	vld [tilespmem:s31+$0xFFFFFFCE]  }
0x40: {  	v6 =	vld [tilespmem:s31+$0xFFFFFFCD]  }
0x41: {  	v8 =	vld [tilespmem:s31+$0xFFFFFFED]  }
0x42: {  	v7 =	vld [tilespmem:s31+$0xFFFFFFDE]  }
0x43: {  	v10 =	vimm.s32 $0x3020104;
	v9 =	vld [tilespmem:s31+$0xFFFFFFDD]  }
0x44: {  	v11 =	vld [tilespmem:s31+$0xFFFFFFEE];
	v4 =	vsel vm2, v4, v0;
	v0 =	vunpack.c.0.s8.s32 v10  }
0x45: {  	vm3 =	vlt.u32 v2, $0x2;
	v2 =	vsel vm2, v6, v5;
	v5 =	vld [tilespmem:s31+$0xFFFFFFD0];
	v10 =	vsel vm0, v4, v1  }
0x46: {  	v4 =	vld [tilespmem:s31+$0xFFFFFFEF];
	vm4 =	veq.s32 v10, $0x1  }
0x47: {  	s7 =	simm.s32 $0xCB0;
	v1 =	vld [tilespmem:s31+$0xFFFFFFDF];
	v3 =	vsel vm0, v2, v3;
	v6 =	vsel vm3, $0x0, v0;
	vm3 =	vmor vm4, vm1  }
0x48: {  	s9 =	simm.s32 $0x0;
	s8 =	simm.s32 $0x14B0;
	v2 =	vld [tilespmem:s31+$0xFFFFFFF0];
	[tilespmem:s7+$0x0] =	vst v6;
	v10 =	vsel vm3, $0x0, v10;
	vm3 =	veq.s32 v3, $0x1  }
0x49: {  	s10 =	sadd.s32 $0x40, s31;
	s5 =	simm.s32 $0x14B0;
	s6 =	simm.s32 $0xCB0;
	v8 =	vsel vm2, v8, v11;
	v6 =	vsel vm2, v9, v7;
	v7 =	vld [tilespmem:s31+$0xFFFFFFE0];
	[tilespmem:s8+$0x0] =	vst v10;
	vm3 =	vmor vm3, vm1  }
.LBB2_3:
0x4a: {  	v9 =	vld [tilespmem:s10+$0xFFFFFFFE];
	s9 =	sadd.s32 $0x4, s9;
	s7 =	sadd.s32 $0x40, s7;
	s8 =	sadd.s32 $0x40, s8  }
0x4b: {  	v10 =	vld [tilespmem:s10+$0x0];
	p0 =	slt.u32 s9, $0x1C;
	v4 =	vsel vm0, v8, v4  }
0x4c: {  	v8 =	vld [tilespmem:s10+$0xFFFFFFFF];
	vm4 =	vlt.u32 v5, $0x2;
	vm5 =	veq.s32 v4, $0x1  }
0x4d: {  	v1 =	vsel vm0, v6, v1;
	v11 =	vld [tilespmem:s10+$0xFFFFFFCF];
	v5 =	vsel vm4, $0x0, v0;
	vm4 =	vmor vm5, vm1  }
0x4e: {  	v3 =	vsel vm3, $0x0, v3;
	v6 =	vld [tilespmem:s10+$0xFFFFFFFD];
	[tilespmem:s6+$0xFFFFFFD0] =	vst v5;
	vm3 =	vlt.u32 v7, $0x2;
	v4 =	vsel vm4, $0x0, v4  }
0x4f: {  	vm4 =	vlt.u32 v2, $0x2;
	v5 =	vld [tilespmem:s10+$0xFFFFFFCE];
	[tilespmem:s5+$0xFFFFFFD0] =	vst v3;
	v3 =	vsel vm3, $0x0, v0;
	vm3 =	veq.s32 v1, $0x1  }
0x50: {  	v2 =	vsel vm4, $0x0, v0;
	v12 =	vld [tilespmem:s10+$0xFFFFFFED];
	vm5 =	vlt.u32 v10, $0x2;
	vm3 =	vmor vm3, vm1;
	[tilespmem:s6+$0xFFFFFFE0] =	vst v3  }
0x51: {  	v3 =	vld [tilespmem:s10+$0xFFFFFFCD];
	v7 =	vsel vm5, $0x0, v0;
	v1 =	vsel vm3, $0x0, v1;
	[tilespmem:s6+$0xFFFFFFF0] =	vst v2;
	s6 =	smov.u32 s7  }
0x52: {  	v2 =	vld [tilespmem:s10+$0xFFFFFFDE];
	[tilespmem:s5+$0xFFFFFFF0] =	vst v4  }
0x53: {  	v10 =	vld [tilespmem:s10+$0xFFFFFFDD];
	v4 =	vsel vm2, v6, v9;
	[tilespmem:s5+$0xFFFFFFE0] =	vst v1;
	s5 =	smov.u32 s8  }
0x54: {  	v9 =	vld [tilespmem:s10+$0xFFFFFFEE];
	v6 =	vsel vm0, v4, v8;
	[tilespmem:s7+$0x0] =	vst v7  }
.Ltmp1:
0x55: {  	v1 =	vld [tilespmem:s10+$0xFFFFFFDF];
	vm3 =	veq.s32 v6, $0x1;
	(pc) =	sbr.rel @p0 .LBB2_3-.Ltmp1, $4  }
0x56: {  	v3 =	vsel vm2, v3, v5;
	v4 =	vld [tilespmem:s10+$0xFFFFFFEF];
	vm3 =	vmor vm3, vm1  }
0x57: {  	v5 =	vld [tilespmem:s10+$0xFFFFFFD0];
	v3 =	vsel vm0, v3, v11;
	v7 =	vsel vm3, $0x0, v6  }
0x58: {  	vm3 =	veq.s32 v3, $0x1;
	v6 =	vsel vm2, v10, v2;
	v2 =	vld [tilespmem:s10+$0xFFFFFFF0];
	[tilespmem:s8+$0x0] =	vst v7  }
0x59: {  	vm3 =	vmor vm3, vm1;
	v7 =	vld [tilespmem:s10+$0xFFFFFFE0];
	v8 =	vsel vm2, v12, v9;
	s10 =	sadd.s32 $0x40, s10  }
0x5a: {  	_ =	sdelay $0x1  }
0x5b: {  	vm4 =	vlt.u32 v5, $0x2  }
0x5c: {  	v3 =	vsel vm3, $0x0, v3;
	v5 =	vsel vm4, $0x0, v0  }
0x5d: {  	v1 =	vsel vm0, v6, v1;
	v4 =	vsel vm0, v8, v4;
	[tilespmem:s6+$0xFFFFFFD0] =	vst v5;
	vm3 =	vlt.u32 v7, $0x2  }
0x5e: {  	vm4 =	veq.s32 v4, $0x1;
	[tilespmem:s5+$0xFFFFFFD0] =	vst v3;
	v3 =	vsel vm3, $0x0, v0;
	vm3 =	vlt.u32 v2, $0x2  }
0x5f: {  	vm5 =	veq.s32 v1, $0x1;
	vm4 =	vmor vm4, vm1;
	[tilespmem:s6+$0xFFFFFFE0] =	vst v3;
	v0 =	vsel vm3, $0x0, v0  }
0x60: {  	v2 =	vsel vm4, $0x0, v4;
	vm3 =	vmor vm5, vm1;
	[tilespmem:s6+$0xFFFFFFF0] =	vst v0  }
0x61: {  	v0 =	vsel vm3, $0x0, v1;
	[tilespmem:s5+$0xFFFFFFF0] =	vst v2  }
0x62: {  	s31 =	sadd.s32 $0x5B0, s4;
	[tilespmem:s5+$0xFFFFFFE0] =	vst v0  }
0x63: {  	v0 =	vld [tilespmem:s31+$0xFFFFFFFE]  }
0x64: {  	v2 =	vld [tilespmem:s31+$0x0]  }
0x65: {  	v1 =	vld [tilespmem:s31+$0xFFFFFFFF]  }
0x66: {  	v3 =	vld [tilespmem:s31+$0xFFFFFFCF]  }
0x67: {  	v4 =	vld [tilespmem:s31+$0xFFFFFFFD]  }
0x68: {  	v5 =	vld [tilespmem:s31+$0xFFFFFFCE]  }
0x69: {  	v6 =	vld [tilespmem:s31+$0xFFFFFFCD]  }
0x6a: {  	v8 =	vld [tilespmem:s31+$0xFFFFFFED]  }
0x6b: {  	v7 =	vld [tilespmem:s31+$0xFFFFFFDE]  }
0x6c: {  	v10 =	vimm.s32 $0x3020104;
	v9 =	vld [tilespmem:s31+$0xFFFFFFDD]  }
0x6d: {  	v11 =	vld [tilespmem:s31+$0xFFFFFFEE];
	v4 =	vsel vm2, v4, v0;
	v0 =	vunpack.c.0.s8.s32 v10  }
0x6e: {  	vm3 =	vlt.u32 v2, $0x2;
	v2 =	vsel vm2, v6, v5;
	v5 =	vld [tilespmem:s31+$0xFFFFFFD0];
	v10 =	vsel vm0, v4, v1  }
0x6f: {  	v4 =	vld [tilespmem:s31+$0xFFFFFFEF];
	vm4 =	veq.s32 v10, $0x1  }
0x70: {  	s7 =	simm.s32 $0xEB0;
	v1 =	vld [tilespmem:s31+$0xFFFFFFDF];
	v3 =	vsel vm0, v2, v3;
	v6 =	vsel vm3, $0x0, v0;
	vm3 =	vmor vm4, vm1  }
0x71: {  	s8 =	simm.s32 $0x16B0;
	s9 =	simm.s32 $0x0;
	v2 =	vld [tilespmem:s31+$0xFFFFFFF0];
	[tilespmem:s7+$0x0] =	vst v6;
	v10 =	vsel vm3, $0x0, v10;
	vm3 =	veq.s32 v3, $0x1  }
0x72: {  	s10 =	sadd.s32 $0x40, s31;
	s6 =	simm.s32 $0xEB0;
	s5 =	simm.s32 $0x16B0;
	v8 =	vsel vm2, v8, v11;
	v6 =	vsel vm2, v9, v7;
	v7 =	vld [tilespmem:s31+$0xFFFFFFE0];
	[tilespmem:s8+$0x0] =	vst v10;
	vm3 =	vmor vm3, vm1  }
.LBB2_5:
0x73: {  	v9 =	vld [tilespmem:s10+$0xFFFFFFFE];
	s9 =	sadd.s32 $0x4, s9;
	s7 =	sadd.s32 $0x40, s7;
	s8 =	sadd.s32 $0x40, s8  }
0x74: {  	v10 =	vld [tilespmem:s10+$0x0];
	p0 =	slt.u32 s9, $0x1C;
	v4 =	vsel vm0, v8, v4  }
0x75: {  	v8 =	vld [tilespmem:s10+$0xFFFFFFFF];
	vm4 =	vlt.u32 v5, $0x2;
	vm5 =	veq.s32 v4, $0x1  }
0x76: {  	v1 =	vsel vm0, v6, v1;
	v11 =	vld [tilespmem:s10+$0xFFFFFFCF];
	v5 =	vsel vm4, $0x0, v0;
	vm4 =	vmor vm5, vm1  }
0x77: {  	v3 =	vsel vm3, $0x0, v3;
	v6 =	vld [tilespmem:s10+$0xFFFFFFFD];
	[tilespmem:s6+$0xFFFFFFD0] =	vst v5;
	vm3 =	vlt.u32 v7, $0x2;
	v4 =	vsel vm4, $0x0, v4  }
0x78: {  	vm4 =	vlt.u32 v2, $0x2;
	v5 =	vld [tilespmem:s10+$0xFFFFFFCE];
	[tilespmem:s5+$0xFFFFFFD0] =	vst v3;
	v3 =	vsel vm3, $0x0, v0;
	vm3 =	veq.s32 v1, $0x1  }
0x79: {  	v2 =	vsel vm4, $0x0, v0;
	v12 =	vld [tilespmem:s10+$0xFFFFFFED];
	vm5 =	vlt.u32 v10, $0x2;
	vm3 =	vmor vm3, vm1;
	[tilespmem:s6+$0xFFFFFFE0] =	vst v3  }
0x7a: {  	v3 =	vld [tilespmem:s10+$0xFFFFFFCD];
	v7 =	vsel vm5, $0x0, v0;
	v1 =	vsel vm3, $0x0, v1;
	[tilespmem:s6+$0xFFFFFFF0] =	vst v2;
	s6 =	smov.u32 s7  }
0x7b: {  	v2 =	vld [tilespmem:s10+$0xFFFFFFDE];
	[tilespmem:s5+$0xFFFFFFF0] =	vst v4  }
0x7c: {  	v10 =	vld [tilespmem:s10+$0xFFFFFFDD];
	v4 =	vsel vm2, v6, v9;
	[tilespmem:s5+$0xFFFFFFE0] =	vst v1;
	s5 =	smov.u32 s8  }
0x7d: {  	v9 =	vld [tilespmem:s10+$0xFFFFFFEE];
	v6 =	vsel vm0, v4, v8;
	[tilespmem:s7+$0x0] =	vst v7  }
.Ltmp2:
0x7e: {  	v1 =	vld [tilespmem:s10+$0xFFFFFFDF];
	vm3 =	veq.s32 v6, $0x1;
	(pc) =	sbr.rel @p0 .LBB2_5-.Ltmp2, $4  }
0x7f: {  	v3 =	vsel vm2, v3, v5;
	v4 =	vld [tilespmem:s10+$0xFFFFFFEF];
	vm3 =	vmor vm3, vm1  }
0x80: {  	v5 =	vld [tilespmem:s10+$0xFFFFFFD0];
	v3 =	vsel vm0, v3, v11;
	v7 =	vsel vm3, $0x0, v6  }
0x81: {  	vm3 =	veq.s32 v3, $0x1;
	v6 =	vsel vm2, v10, v2;
	v2 =	vld [tilespmem:s10+$0xFFFFFFF0];
	[tilespmem:s8+$0x0] =	vst v7  }
0x82: {  	vm3 =	vmor vm3, vm1;
	v7 =	vld [tilespmem:s10+$0xFFFFFFE0];
	v8 =	vsel vm2, v12, v9;
	s10 =	sadd.s32 $0x40, s10  }
0x83: {  	_ =	sdelay $0x1  }
0x84: {  	vm4 =	vlt.u32 v5, $0x2  }
0x85: {  	v3 =	vsel vm3, $0x0, v3;
	v5 =	vsel vm4, $0x0, v0  }
0x86: {  	v1 =	vsel vm0, v6, v1;
	v4 =	vsel vm0, v8, v4;
	[tilespmem:s6+$0xFFFFFFD0] =	vst v5;
	vm3 =	vlt.u32 v7, $0x2  }
0x87: {  	vm4 =	veq.s32 v4, $0x1;
	[tilespmem:s5+$0xFFFFFFD0] =	vst v3;
	v3 =	vsel vm3, $0x0, v0;
	vm3 =	vlt.u32 v2, $0x2  }
0x88: {  	vm5 =	veq.s32 v1, $0x1;
	vm4 =	vmor vm4, vm1;
	[tilespmem:s6+$0xFFFFFFE0] =	vst v3;
	v0 =	vsel vm3, $0x0, v0  }
0x89: {  	v2 =	vsel vm4, $0x0, v4;
	vm3 =	vmor vm5, vm1;
	[tilespmem:s6+$0xFFFFFFF0] =	vst v0  }
0x8a: {  	v0 =	vsel vm3, $0x0, v1;
	[tilespmem:s5+$0xFFFFFFF0] =	vst v2  }
0x8b: {  	s4 =	sadd.s32 $0x830, s4;
	[tilespmem:s5+$0xFFFFFFE0] =	vst v0  }
0x8c: {  	v0 =	vld [tilespmem:s4+$0xFFFFFFFE]  }
0x8d: {  	v2 =	vld [tilespmem:s4+$0x0]  }
0x8e: {  	v1 =	vld [tilespmem:s4+$0xFFFFFFFF]  }
0x8f: {  	v3 =	vld [tilespmem:s4+$0xFFFFFFCF]  }
0x90: {  	v4 =	vld [tilespmem:s4+$0xFFFFFFFD]  }
0x91: {  	v5 =	vld [tilespmem:s4+$0xFFFFFFCE]  }
0x92: {  	v6 =	vld [tilespmem:s4+$0xFFFFFFCD]  }
0x93: {  	v8 =	vld [tilespmem:s4+$0xFFFFFFED]  }
0x94: {  	v7 =	vld [tilespmem:s4+$0xFFFFFFDE]  }
0x95: {  	v10 =	vimm.s32 $0x3020104;
	v9 =	vld [tilespmem:s4+$0xFFFFFFDD]  }
0x96: {  	v11 =	vld [tilespmem:s4+$0xFFFFFFEE];
	v4 =	vsel vm2, v4, v0;
	v0 =	vunpack.c.0.s8.s32 v10  }
0x97: {  	vm3 =	vlt.u32 v2, $0x2;
	v2 =	vsel vm2, v6, v5;
	v5 =	vld [tilespmem:s4+$0xFFFFFFD0];
	v10 =	vsel vm0, v4, v1  }
0x98: {  	v4 =	vld [tilespmem:s4+$0xFFFFFFEF];
	vm4 =	veq.s32 v10, $0x1  }
0x99: {  	s6 =	simm.s32 $0x10B0;
	v1 =	vld [tilespmem:s4+$0xFFFFFFDF];
	v3 =	vsel vm0, v2, v3;
	v6 =	vsel vm3, $0x0, v0;
	vm3 =	vmor vm4, vm1  }
0x9a: {  	s7 =	simm.s32 $0x18B0;
	s8 =	simm.s32 $0x0;
	v2 =	vld [tilespmem:s4+$0xFFFFFFF0];
	[tilespmem:s6+$0x0] =	vst v6;
	v10 =	vsel vm3, $0x0, v10;
	vm3 =	veq.s32 v3, $0x1  }
0x9b: {  	s9 =	sadd.s32 $0x40, s4;
	s5 =	simm.s32 $0x10B0;
	v8 =	vsel vm2, v8, v11;
	v6 =	vsel vm2, v9, v7;
	v7 =	vld [tilespmem:s4+$0xFFFFFFE0];
	s4 =	simm.s32 $0x18B0;
	[tilespmem:s7+$0x0] =	vst v10;
	vm3 =	vmor vm3, vm1  }
.LBB2_7:
0x9c: {  	v9 =	vld [tilespmem:s9+$0xFFFFFFFE];
	s8 =	sadd.s32 $0x4, s8;
	s6 =	sadd.s32 $0x40, s6;
	s7 =	sadd.s32 $0x40, s7  }
0x9d: {  	v10 =	vld [tilespmem:s9+$0x0];
	p0 =	slt.u32 s8, $0x1C;
	v4 =	vsel vm0, v8, v4  }
0x9e: {  	v8 =	vld [tilespmem:s9+$0xFFFFFFFF];
	vm4 =	vlt.u32 v5, $0x2;
	vm5 =	veq.s32 v4, $0x1  }
0x9f: {  	v1 =	vsel vm0, v6, v1;
	v11 =	vld [tilespmem:s9+$0xFFFFFFCF];
	v5 =	vsel vm4, $0x0, v0;
	vm4 =	vmor vm5, vm1  }
0xa0: {  	v3 =	vsel vm3, $0x0, v3;
	v6 =	vld [tilespmem:s9+$0xFFFFFFFD];
	[tilespmem:s5+$0xFFFFFFD0] =	vst v5;
	vm3 =	vlt.u32 v7, $0x2;
	v4 =	vsel vm4, $0x0, v4  }
0xa1: {  	vm4 =	vlt.u32 v2, $0x2;
	v5 =	vld [tilespmem:s9+$0xFFFFFFCE];
	[tilespmem:s4+$0xFFFFFFD0] =	vst v3;
	v3 =	vsel vm3, $0x0, v0;
	vm3 =	veq.s32 v1, $0x1  }
0xa2: {  	v2 =	vsel vm4, $0x0, v0;
	v12 =	vld [tilespmem:s9+$0xFFFFFFED];
	vm5 =	vlt.u32 v10, $0x2;
	vm3 =	vmor vm3, vm1;
	[tilespmem:s5+$0xFFFFFFE0] =	vst v3  }
0xa3: {  	v3 =	vld [tilespmem:s9+$0xFFFFFFCD];
	v7 =	vsel vm5, $0x0, v0;
	v1 =	vsel vm3, $0x0, v1;
	[tilespmem:s5+$0xFFFFFFF0] =	vst v2;
	s5 =	smov.u32 s6  }
0xa4: {  	v2 =	vld [tilespmem:s9+$0xFFFFFFDE];
	[tilespmem:s4+$0xFFFFFFF0] =	vst v4  }
0xa5: {  	v10 =	vld [tilespmem:s9+$0xFFFFFFDD];
	v4 =	vsel vm2, v6, v9;
	[tilespmem:s4+$0xFFFFFFE0] =	vst v1;
	s4 =	smov.u32 s7  }
0xa6: {  	v9 =	vld [tilespmem:s9+$0xFFFFFFEE];
	v6 =	vsel vm0, v4, v8;
	[tilespmem:s6+$0x0] =	vst v7  }
.Ltmp3:
0xa7: {  	v1 =	vld [tilespmem:s9+$0xFFFFFFDF];
	vm3 =	veq.s32 v6, $0x1;
	(pc) =	sbr.rel @p0 .LBB2_7-.Ltmp3, $4  }
0xa8: {  	v3 =	vsel vm2, v3, v5;
	v4 =	vld [tilespmem:s9+$0xFFFFFFEF];
	vm3 =	vmor vm3, vm1  }
0xa9: {  	v5 =	vld [tilespmem:s9+$0xFFFFFFD0];
	v3 =	vsel vm0, v3, v11;
	v7 =	vsel vm3, $0x0, v6  }
0xaa: {  	vm3 =	veq.s32 v3, $0x1;
	v6 =	vsel vm2, v10, v2;
	v2 =	vld [tilespmem:s9+$0xFFFFFFF0];
	[tilespmem:s7+$0x0] =	vst v7  }
0xab: {  	vm3 =	vmor vm3, vm1;
	v7 =	vld [tilespmem:s9+$0xFFFFFFE0];
	v8 =	vsel vm2, v12, v9;
	s9 =	sadd.s32 $0x40, s9  }
0xac: {  	_ =	sdelay $0x1  }
0xad: {  	vm2 =	vlt.u32 v5, $0x2  }
0xae: {  	v3 =	vsel vm3, $0x0, v3;
	v5 =	vsel vm2, $0x0, v0  }
0xaf: {  	v1 =	vsel vm0, v6, v1;
	v4 =	vsel vm0, v8, v4;
	vm13 =	vlt.u32 v2, $0x2;
	[tilespmem:s5+$0xFFFFFFD0] =	vst v5  }
0xb0: {  	vm11 =	veq.s32 v4, $0x1;
	vm12 =	vlt.u32 v7, $0x2;
	v61 =	vsel vm13, $0x0, v0;
	[tilespmem:s4+$0xFFFFFFD0] =	vst v3  }
0xb1: {  	vm14 =	veq.s32 v1, $0x1;
	vm2 =	vmor vm11, vm1;
	v60 =	vsel vm12, $0x0, v0;
	[tilespmem:s5+$0xFFFFFFF0] =	vst v61  }
0xb2: {  	vm15 =	vmor vm14, vm1;
	v62 =	vsel vm2, $0x0, v4;
	[tilespmem:s5+$0xFFFFFFE0] =	vst v60  }
0xb3: {  	v63 =	vsel vm15, $0x0, v1;
	[tilespmem:s4+$0xFFFFFFF0] =	vst v62  }
0xb4: {  	p1 =	seq.s32 s0, $0xF;
	[tilespmem:s4+$0xFFFFFFE0] =	vst v63  }
0xb5: {  	v0 =	vld @p1 [tilespmem:$0xC70]  }
0xb6: {  	v1 =	vld @p1 [tilespmem:$0xE70]  }
0xb7: {  	p0 =	sne.s32 @!p1 s0, $0x0;
	v2 =	vld @p1 [tilespmem:$0x1070]  }
0xb8: {  	p0 =	por p0, p1;
	v3 =	vlaneseq.u32 @p1;
	v4 =	vld @p1 [tilespmem:$0x1270]  }
0xb9: {  	vm0 =	veq.s32 @p1 v3, $0xD;
	v3 =	vld @!p0 [tilespmem:$0xA80]  }
0xba: {  	v5 =	vld @!p0 [tilespmem:$0x1280];
	v0 =	vsel @p1 vm0, $0x0, v0  }
0xbb: {  	[tilespmem:$0xC70] =	vst @p1 v0;
	v0 =	vsel @p1 vm0, $0x0, v1;
	v1 =	vld @!p0 [tilespmem:$0xC80]  }
0xbc: {  	v6 =	vld @!p0 [tilespmem:$0x1480];
	[tilespmem:$0xE70] =	vst @p1 v0;
	v0 =	vsel @p1 vm0, $0x0, v2;
	v2 =	vlaneseq.u32 @!p0  }
0xbd: {  	[tilespmem:$0x1070] =	vst @p1 v0;
	v0 =	vsel @p1 vm0, $0x0, v4;
	vm0 =	veq.s32 @!p0 v2, $0x0;
	v2 =	vld @!p0 [tilespmem:$0xE80]  }
0xbe: {  	[tilespmem:$0x1270] =	vst @p1 v0;
	v0 =	vsel @!p0 vm0, $0x0, v3;
	v3 =	vld @!p0 [tilespmem:$0x1680]  }
0xbf: {  	v4 =	vld @!p0 [tilespmem:$0x1080];
	[tilespmem:$0xA80] =	vst @!p0 v0;
	v0 =	vsel @!p0 vm0, $0x0, v5  }
0xc0: {  	[tilespmem:$0x1280] =	vst @!p0 v0;
	v0 =	vsel @!p0 vm0, $0x0, v1;
	v1 =	vld @!p0 [tilespmem:$0x1880]  }
0xc1: {  	[tilespmem:$0xC80] =	vst @!p0 v0;
	v0 =	vsel @!p0 vm0, $0x0, v6  }
0xc2: {  	[tilespmem:$0x1480] =	vst @!p0 v0;
	v0 =	vsel @!p0 vm0, $0x0, v2  }
0xc3: {  	[tilespmem:$0xE80] =	vst @!p0 v0;
	v0 =	vsel @!p0 vm0, $0x0, v3  }
0xc4: {  	[tilespmem:$0x1680] =	vst @!p0 v0;
	v0 =	vsel @!p0 vm0, $0x0, v4  }
0xc5: {  	s17 =	sshll.u32 s0, $0x8;
	s18 =	simm.s32 $0x80;
	[tilespmem:$0x1080] =	vst @!p0 v0;
	v0 =	vsel @!p0 vm0, $0x0, v1  }
0xc6: {  	s6 =	simm.s32 $0x200;
	s7 =	simm.s32 $0xA80;
	s3 =	sadd.s32 s3, s17;
	[tilespmem:$0x1880] =	vst @!p0 v0  }
0xc7: {  	[hbm4b:s3+s18] =	stream.strided.scatter [tilespmem:s7], [sflag:$0x1], $0x200, s6, s18, $0x38;
	[tilespmem:$0x1A80] =	vst v63  }
0xc8: {  	s8 =	simm.s32 $0xC80;
	s19 =	sadd.s32 $0x10, s3  }
0xc9: {  	[hbm4b:s19+s18] =	stream.strided.scatter [tilespmem:s8], [sflag:$0x1], $0x200, s6, s18, $0x38;
	[tilespmem:$0x1A80] =	vst v63  }
0xca: {  	s21 =	simm.s32 $0xE80;
	s20 =	sadd.s32 $0x20, s3  }
0xcb: {  	[hbm4b:s20+s18] =	stream.strided.scatter [tilespmem:s21], [sflag:$0x1], $0x200, s6, s18, $0x38;
	[tilespmem:$0x1A80] =	vst v63  }
0xcc: {  	s22 =	simm.s32 $0x1080;
	s3 =	sadd.s32 $0x30, s3  }
0xcd: {  	[hbm4b:s3+s18] =	stream.strided.scatter [tilespmem:s22], [sflag:$0x1], $0x200, s6, s18, $0x38;
	[tilespmem:$0x1A80] =	vst v63  }
0xce: {  	s23 =	simm.s32 $0x1280;
	s2 =	sadd.s32 s2, s17  }
0xcf: {  	[hbm4b:s2+s18] =	stream.strided.scatter [tilespmem:s23], [sflag:$0x2], $0x200, s6, s18, $0x38;
	[tilespmem:$0x1A80] =	vst v63  }
0xd0: {  	s25 =	simm.s32 $0x1480;
	s24 =	sadd.s32 $0x10, s2  }
0xd1: {  	[hbm4b:s24+s18] =	stream.strided.scatter [tilespmem:s25], [sflag:$0x2], $0x200, s6, s18, $0x38;
	[tilespmem:$0x1A80] =	vst v63  }
0xd2: {  	s28 =	simm.s32 $0x1680;
	s26 =	sadd.s32 $0x20, s2  }
0xd3: {  	[hbm4b:s26+s18] =	stream.strided.scatter [tilespmem:s28], [sflag:$0x2], $0x200, s6, s18, $0x38;
	[tilespmem:$0x1A80] =	vst v63  }
0xd4: {  	s29 =	simm.s32 $0x1880;
	s30 =	simm.s32 $0x1;
	s2 =	sadd.s32 $0x30, s2  }
0xd5: {  	[hbm4b:s2+s18] =	stream.strided.scatter [tilespmem:s29], [sflag:$0x2], $0x200, s6, s18, $0x38;
	[tilespmem:$0x1A80] =	vst v63  }
0xd6: {  	_ =	swait.ge [sflag:s30], $0x800  }
0xd7: {  	[sflag:s30] =	ssyncset.done $0x0  }
0xd8: {  	s31 =	simm.s32 $0x2;
	[sflag:s30] =	ssyncadd.s32 $0xFFFFF800  }
0xd9: {  	_ =	swait.ge [sflag:s31], $0x800  }
0xda: {  	[sflag:s31] =	ssyncset.done $0x0  }
0xdb: {  	[sflag:s31] =	ssyncadd.s32 $0xFFFFF800  }
0xdc: {  	_ =	sfence.sel $0x180000  }
0xdd: {  	[bflag:$0x0] =	sbarrier.arrive $0xFFFF  }
0xde: {  	p0 =	sne.s32 s0, $0x0;
	_ =	strace $0x90000047  }
0xdf: {  	s0 =	sadd.s32 @!p0 $0x100000, s1;
	[bflag:$0x2] =	sbarrier.arrive $0xFFFF  }
0xe0: {  	[sflag:s0] =	ssyncadd.tile.s32 @!p0 $0x1;
	_ =	shalt  }
.Lfunc_end2:
_tile_overlayer_lowered:
.L_overlay_start_2:
0xe1: {  	(tag) =	ssettag $0x2  }
0xe2: {  	s0 =	rddreg [dreg:$0x0];
	s2 =	stileid.u32  }
0xe3: {  	s1 =	rddreg [dreg:$0x1];
	p0 =	sne.s32 s2, $0x0  }
0xe4: {  	s3 =	rddreg [dreg:$0x2];
	[bflag:$0x3] =	sbarrier.arrive $0xFFFF;
	s2 =	simm.s32 @!p0 $0x1C03  }
0xe5: {  	[timem:s3], [sflag:s2] =	dma.local @!p0 [hbm:s0], s1  }
0xe6: {  	s0 =	simm.s32 @!p0 $0x3  }
0xe7: {  	_ =	swait.ge @!p0 [sflag:s0], s1  }
0xe8: {  	s1 =	ssub.s32 @!p0 $0x0, s1;
	[sflag:s0] =	ssyncset.done @!p0 $0x0  }
0xe9: {  	[sflag:s0] =	ssyncadd.s32 @!p0 s1  }
0xea: {  	[bflag:$0x3] =	sbarrier.arrive $0xFFFF  }
0xeb: {  	_ =	shalt  }

</sc_bundles>
